<compile_context>
chip_gen: v7x
topology: tpu7x:2x2x1
jax: 0.10.2.dev20260603
libtpu: 0.0.44.dev20260713+nightly
codegen_flags: <defaults>
</compile_context>

<pallas_src>
import functools

import jax
import jax.numpy as jnp
from jax import lax
from jax.experimental import pallas as pl
from jax.experimental.pallas import tpu as pltpu
from jax.experimental.pallas import tpu_sc as plsc

N_NODES = 10000
N_EDGES = 320000
D = 128

NUM_CORES = 2
NUM_SUBCORES = 16
NUM_WORKERS = NUM_CORES * NUM_SUBCORES
BLK = 80
NBLK = 126
EDGES_PAD = NUM_WORKERS * NBLK * BLK
ACC_ROWS = 10112
ROWS_PER_TILE = ACC_ROWS // NUM_SUBCORES


def _sc_agg_body(h_hbm, src_hbm, dst_hbm, zeros_hbm, out_hbm,
                 si0, si1, si2, si3, di0, di1, di2, di3, rows0, rows1,
                 acc, g0, g1, sc0, sc1, is0, is1, is2, is3):
    cid = lax.axis_index("c")
    sid = lax.axis_index("s")
    wid = cid * NUM_SUBCORES + sid
    base0 = wid * (NBLK * BLK)

    sidx = (si0, si1, si2, si3)
    didx = (di0, di1, di2, di3)
    isem = (is0, is1, is2, is3)
    rows = (rows0, rows1)
    g = (g0, g1)
    sc = (sc0, sc1)

    def idx_load(j, k):
        pltpu.async_copy(src_hbm.at[pl.ds(base0 + j * BLK, BLK)], sidx[k], isem[k])
        pltpu.async_copy(dst_hbm.at[pl.ds(base0 + j * BLK, BLK)], didx[k], isem[k])

    def idx_wait(j, k):
        pltpu.make_async_copy(
            src_hbm.at[pl.ds(base0 + j * BLK, BLK)], sidx[k], isem[k]).wait()
        pltpu.make_async_copy(
            dst_hbm.at[pl.ds(base0 + j * BLK, BLK)], didx[k], isem[k]).wait()

    def gather(k, p):
        pltpu.async_copy(h_hbm.at[sidx[k]], rows[p], g[p])

    def gather_wait(k, p):
        pltpu.make_async_copy(h_hbm.at[sidx[k]], rows[p], g[p]).wait()

    def scatter(k, p):
        pltpu.async_copy(rows[p], acc.at[didx[k]], sc[p], add=True)

    def scatter_wait(k, p):
        pltpu.make_async_copy(rows[p], acc.at[didx[k]], sc[p]).wait()

    def body(j, k, first=False, load_idx=True, next_gather=True, last=False):
        p = k & 1
        gather_wait(k, p)
        scatter(k, p)
        if not first:
            scatter_wait((k - 1) & 3, 1 - p)
        if load_idx:
            idx_load(j + 3, (k - 1) & 3)
        if next_gather:
            idx_wait(j + 1, (k + 1) & 3)
            gather((k + 1) & 3, 1 - p)
        if last:
            scatter_wait(k, p)

    idx_load(0, 0)
    idx_load(1, 1)
    idx_load(2, 2)
    pltpu.sync_copy(zeros_hbm, acc.at[pl.ds(sid * ROWS_PER_TILE, ROWS_PER_TILE)])
    idx_wait(0, 0)
    plsc.subcore_barrier()
    gather(0, 0)

    body(0, 0, first=True)
    body(1, 1)
    body(2, 2)
    body(3, 3)

    @pl.loop(4, NBLK - 6, step=4)
    def _(j):
        body(j, 0)
        body(j + 1, 1)
        body(j + 2, 2)
        body(j + 3, 3)

    body(NBLK - 6, 0)
    body(NBLK - 5, 1)
    body(NBLK - 4, 2)
    body(NBLK - 3, 3, load_idx=False)
    body(NBLK - 2, 0, load_idx=False)
    body(NBLK - 1, 1, load_idx=False, next_gather=False, last=True)

    plsc.subcore_barrier()
    row0 = sid * ROWS_PER_TILE
    pltpu.sync_copy(acc.at[pl.ds(row0, ROWS_PER_TILE)],
                    out_hbm.at[cid, pl.ds(row0, ROWS_PER_TILE)])


@jax.jit
def _sc_agg(h, src, dst, zeros):
    mesh = plsc.VectorSubcoreMesh(core_axis_name="c", subcore_axis_name="s")
    k = pl.kernel(
        _sc_agg_body,
        out_type=jax.ShapeDtypeStruct((NUM_CORES, ACC_ROWS, D), jnp.float32),
        mesh=mesh,
        scratch_types=[
            pltpu.VMEM((BLK,), jnp.int32),
            pltpu.VMEM((BLK,), jnp.int32),
            pltpu.VMEM((BLK,), jnp.int32),
            pltpu.VMEM((BLK,), jnp.int32),
            pltpu.VMEM((BLK,), jnp.int32),
            pltpu.VMEM((BLK,), jnp.int32),
            pltpu.VMEM((BLK,), jnp.int32),
            pltpu.VMEM((BLK,), jnp.int32),
            pltpu.VMEM((BLK, D), jnp.float32),
            pltpu.VMEM((BLK, D), jnp.float32),
            pltpu.VMEM_SHARED((ACC_ROWS, D), jnp.float32),
            pltpu.SemaphoreType.DMA,
            pltpu.SemaphoreType.DMA,
            pltpu.SemaphoreType.DMA,
            pltpu.SemaphoreType.DMA,
            pltpu.SemaphoreType.DMA,
            pltpu.SemaphoreType.DMA,
            pltpu.SemaphoreType.DMA,
            pltpu.SemaphoreType.DMA,
        ],
    )
    return k(h, src, dst, zeros)


ROW_BLK = 1000


def _tc_mlp_body(x_ref, p_ref, wt_ref, b_ref, o_ref, *, relu):
    s = x_ref[...] + p_ref[0] + p_ref[1]
    y = jnp.dot(s, wt_ref[...], preferred_element_type=jnp.float32) + b_ref[...]
    if relu:
        y = jnp.maximum(y, 0.0)
    o_ref[...] = y


def _tc_mlp(x, parts, wt, b, relu):
    grid = (N_NODES // ROW_BLK,)
    return pl.pallas_call(
        functools.partial(_tc_mlp_body, relu=relu),
        grid=grid,
        in_specs=[
            pl.BlockSpec((ROW_BLK, D), lambda i: (i, 0)),
            pl.BlockSpec((NUM_CORES, ROW_BLK, D), lambda i: (0, i, 0)),
            pl.BlockSpec((D, D), lambda i: (0, 0)),
            pl.BlockSpec((1, D), lambda i: (0, 0)),
        ],
        out_specs=pl.BlockSpec((ROW_BLK, D), lambda i: (i, 0)),
        out_shape=jax.ShapeDtypeStruct((N_NODES, D), jnp.float32),
    )(x, parts, wt, b)


def kernel(x, edge_index, W1, b1, W2, b2):
    npad = EDGES_PAD - N_EDGES
    src = jnp.concatenate(
        [edge_index[0].astype(jnp.int32), jnp.zeros((npad,), jnp.int32)])
    dst = jnp.concatenate(
        [edge_index[1].astype(jnp.int32),
         jnp.full((npad,), ACC_ROWS - 1, jnp.int32)])
    zeros = jnp.zeros((ROWS_PER_TILE, D), jnp.float32)

    agg1 = _sc_agg(x, src, dst, zeros)
    h = _tc_mlp(x, agg1, W1.T, b1.reshape(1, D), relu=True)
    agg2 = _sc_agg(h, src, dst, zeros)
    out = _tc_mlp(h, agg2, W2.T, b2.reshape(1, D), relu=False)
    return out

# --- scband reference (transcript-rebuilt; emitter-appended) ---
"""Pipeline reference for scband-gnn-gcn-2-68616397521282 (READ-ONLY COPY).

The authoritative reference and input builder live on the scoring server;
editing this copy changes nothing except your own understanding.
"""

import jax, jax.numpy as jnp
import numpy as np

N_NODES = 10000
N_EDGES = 320000
D_IN = 128
D_HID = 128
D_OUT = 128

def setup_inputs(seed: int = 0) -> dict:
    key = jax.random.key(seed)
    k1, k2, k3, k4, k5, k6 = jax.random.split(key, 6)
    x = jax.random.normal(k1, (N_NODES, D_IN), dtype=jnp.float32)
    edge_index = jax.random.randint(k2, (2, N_EDGES), 0, N_NODES, dtype=jnp.int64)
    # GIN layer 1 MLP: Linear(in_channels=128, hidden_channels=128) with bias
    W1 = jax.random.normal(k3, (D_HID, D_IN), dtype=jnp.float32) * (1.0 / np.sqrt(D_IN))
    b1 = jax.random.normal(k4, (D_HID,), dtype=jnp.float32) * 0.01
    # GIN layer 2 MLP: Linear(hidden_channels=128, out_channels=128) with bias
    W2 = jax.random.normal(k5, (D_OUT, D_HID), dtype=jnp.float32) * (1.0 / np.sqrt(D_HID))
    b2 = jax.random.normal(k6, (D_OUT,), dtype=jnp.float32) * 0.01
    return {"x": x, "edge_index": edge_index, "W1": W1, "b1": b1, "W2": W2, "b2": b2}

def _gin_aggregate(h, src, dst):
    # PyG GINConv with default eps=0.0: out = mlp((1 + eps) * x + sum_{j in N(i)} x_j)
    msgs = jnp.take(h, src, axis=0)                      # gather source features
    agg = jax.ops.segment_sum(msgs, dst, num_segments=N_NODES)  # scatter-add to dst
    return h + agg  # (1 + eps) * x + agg, eps = 0

def reference(x, edge_index, W1, b1, W2, b2):
    src = edge_index[0]
    dst = edge_index[1]
    # gin1: mlp_gin1(x + neighbor_sum)
    h = _gin_aggregate(x, src, dst)
    h = h @ W1.T + b1
    # relu
    h = jax.nn.relu(h)
    # gin2: mlp_gin2(h + neighbor_sum)
    h2 = _gin_aggregate(h, src, dst)
    out = h2 @ W2.T + b2
    return out

if __name__ == "__main__":
    import jax
    _d = setup_inputs()
    print(jax.jit(kernel)(*tuple(_d.values())))

</pallas_src>

<mosaic_0001>
#map = affine_map<(d0, d1) -> (0, 0)>
#map1 = affine_map<(d0, d1) -> (0)>
#map2 = affine_map<(d0, d1) -> (0, 0, 0)>
module attributes {stable_mosaic.version = 14 : i64} {
  func.func @_sc_agg_body(%arg0: i32, %arg1: i32, %arg2: memref<10000x128xf32, #tpu.memory_space<hbm>>, %arg3: memref<322560xi32, #tpu.memory_space<hbm>>, %arg4: memref<322560xi32, #tpu.memory_space<hbm>>, %arg5: memref<632x128xf32, #tpu.memory_space<hbm>>, %arg6: memref<2x10112x128xf32, #tpu.memory_space<hbm>>, %arg7: memref<80xi32, #tpu.memory_space<vmem>>, %arg8: memref<80xi32, #tpu.memory_space<vmem>>, %arg9: memref<80xi32, #tpu.memory_space<vmem>>, %arg10: memref<80xi32, #tpu.memory_space<vmem>>, %arg11: memref<80xi32, #tpu.memory_space<vmem>>, %arg12: memref<80xi32, #tpu.memory_space<vmem>>, %arg13: memref<80xi32, #tpu.memory_space<vmem>>, %arg14: memref<80xi32, #tpu.memory_space<vmem>>, %arg15: memref<80x128xf32, #tpu.memory_space<vmem>>, %arg16: memref<80x128xf32, #tpu.memory_space<vmem>>, %arg17: memref<10112x128xf32, #tpu.memory_space<vmem_shared>>, %arg18: memref<!tpu.dma_semaphore, #tpu.memory_space<semaphore_mem>>, %arg19: memref<!tpu.dma_semaphore, #tpu.memory_space<semaphore_mem>>, %arg20: memref<!tpu.dma_semaphore, #tpu.memory_space<semaphore_mem>>, %arg21: memref<!tpu.dma_semaphore, #tpu.memory_space<semaphore_mem>>, %arg22: memref<!tpu.dma_semaphore, #tpu.memory_space<semaphore_mem>>, %arg23: memref<!tpu.dma_semaphore, #tpu.memory_space<semaphore_mem>>, %arg24: memref<!tpu.dma_semaphore, #tpu.memory_space<semaphore_mem>>, %arg25: memref<!tpu.dma_semaphore, #tpu.memory_space<semaphore_mem>>) attributes {dimension_semantics = [#tpu.dimension_semantics<core_parallel>, #tpu.dimension_semantics<subcore_parallel>], iteration_bounds = array<i64: 2, 16>, scalar_prefetch = 0 : i64, scratch_operands = 19 : i64, tpu.core_type = #tpu.core_type<sc_vector_subcore>, window_params = [{transform_indices = #map}, {transform_indices = #map1}, {transform_indices = #map1}, {transform_indices = #map}, {transform_indices = #map2}]} {
    %mul3A = arith.constant 16 : i32
    %mul3A_0 = arith.muli %arg0, %mul3A : i32
    %add3A = arith.addi %mul3A_0, %arg1 : i32
    %mul3A_1 = arith.constant 10080 : i32
    %mul3A_2 = arith.muli %add3A, %mul3A_1 : i32
    %add3A_3 = arith.constant 0 : i32
    %add3A_4 = arith.addi %mul3A_2, %add3A_3 : i32
    %dma_start3A = tpu.memref_slice %arg3[%add3A_4] : memref<322560xi32, #tpu.memory_space<hbm>> -> memref<80xi32, #tpu.memory_space<hbm>>
    %dma_start3A_5 = tpu.memref_slice %arg3[%add3A_4] : memref<322560xi32, #tpu.memory_space<hbm>> -> memref<80xi32, #tpu.memory_space<hbm>>
    tpu.enqueue_dma source(%dma_start3A_5 : memref<80xi32, #tpu.memory_space<hbm>>) target(%arg7 : memref<80xi32, #tpu.memory_space<vmem>>) target_semaphore(%arg22 : memref<!tpu.dma_semaphore, #tpu.memory_space<semaphore_mem>>)
    %add3A_6 = arith.constant 0 : i32
    %add3A_7 = arith.addi %mul3A_2, %add3A_6 : i32
    %dma_start3A_8 = tpu.memref_slice %arg4[%add3A_7] : memref<322560xi32, #tpu.memory_space<hbm>> -> memref<80xi32, #tpu.memory_space<hbm>>
    %dma_start3A_9 = tpu.memref_slice %arg4[%add3A_7] : memref<322560xi32, #tpu.memory_space<hbm>> -> memref<80xi32, #tpu.memory_space<hbm>>
    tpu.enqueue_dma source(%dma_start3A_9 : memref<80xi32, #tpu.memory_space<hbm>>) target(%arg11 : memref<80xi32, #tpu.memory_space<vmem>>) target_semaphore(%arg22 : memref<!tpu.dma_semaphore, #tpu.memory_space<semaphore_mem>>)
    %add3A_10 = arith.constant 80 : i32
    %add3A_11 = arith.addi %mul3A_2, %add3A_10 : i32
    %dma_start3A_12 = tpu.memref_slice %arg3[%add3A_11] : memref<322560xi32, #tpu.memory_space<hbm>> -> memref<80xi32, #tpu.memory_space<hbm>>
    %dma_start3A_13 = tpu.memref_slice %arg3[%add3A_11] : memref<322560xi32, #tpu.memory_space<hbm>> -> memref<80xi32, #tpu.memory_space<hbm>>
    tpu.enqueue_dma source(%dma_start3A_13 : memref<80xi32, #tpu.memory_space<hbm>>) target(%arg8 : memref<80xi32, #tpu.memory_space<vmem>>) target_semaphore(%arg23 : memref<!tpu.dma_semaphore, #tpu.memory_space<semaphore_mem>>)
    %add3A_14 = arith.constant 80 : i32
    %add3A_15 = arith.addi %mul3A_2, %add3A_14 : i32
    %dma_start3A_16 = tpu.memref_slice %arg4[%add3A_15] : memref<322560xi32, #tpu.memory_space<hbm>> -> memref<80xi32, #tpu.memory_space<hbm>>
    %dma_start3A_17 = tpu.memref_slice %arg4[%add3A_15] : memref<322560xi32, #tpu.memory_space<hbm>> -> memref<80xi32, #tpu.memory_space<hbm>>
    tpu.enqueue_dma source(%dma_start3A_17 : memref<80xi32, #tpu.memory_space<hbm>>) target(%arg12 : memref<80xi32, #tpu.memory_space<vmem>>) target_semaphore(%arg23 : memref<!tpu.dma_semaphore, #tpu.memory_space<semaphore_mem>>)
    %add3A_18 = arith.constant 160 : i32
    %add3A_19 = arith.addi %mul3A_2, %add3A_18 : i32
    %dma_start3A_20 = tpu.memref_slice %arg3[%add3A_19] : memref<322560xi32, #tpu.memory_space<hbm>> -> memref<80xi32, #tpu.memory_space<hbm>>
    %dma_start3A_21 = tpu.memref_slice %arg3[%add3A_19] : memref<322560xi32, #tpu.memory_space<hbm>> -> memref<80xi32, #tpu.memory_space<hbm>>
    tpu.enqueue_dma source(%dma_start3A_21 : memref<80xi32, #tpu.memory_space<hbm>>) target(%arg9 : memref<80xi32, #tpu.memory_space<vmem>>) target_semaphore(%arg24 : memref<!tpu.dma_semaphore, #tpu.memory_space<semaphore_mem>>)
    %add3A_22 = arith.constant 160 : i32
    %add3A_23 = arith.addi %mul3A_2, %add3A_22 : i32
    %dma_start3A_24 = tpu.memref_slice %arg4[%add3A_23] : memref<322560xi32, #tpu.memory_space<hbm>> -> memref<80xi32, #tpu.memory_space<hbm>>
    %dma_start3A_25 = tpu.memref_slice %arg4[%add3A_23] : memref<322560xi32, #tpu.memory_space<hbm>> -> memref<80xi32, #tpu.memory_space<hbm>>
    tpu.enqueue_dma source(%dma_start3A_25 : memref<80xi32, #tpu.memory_space<hbm>>) target(%arg13 : memref<80xi32, #tpu.memory_space<vmem>>) target_semaphore(%arg24 : memref<!tpu.dma_semaphore, #tpu.memory_space<semaphore_mem>>)
    %mul3A_26 = arith.constant 632 : i32
    %mul3A_27 = arith.muli %arg1, %mul3A_26 : i32
    "tpu.region"() ({
      %run_scoped3A = tpu.sem_alloc : memref<!tpu.dma_semaphore, #tpu.memory_space<semaphore_mem>>
      %dma_start3A_290 = arith.constant 0 : i32
      %dma_start3A_291 = tpu.memref_slice %arg17[%mul3A_27, %dma_start3A_290] : memref<10112x128xf32, #tpu.memory_space<vmem_shared>> -> memref<632x128xf32, #tpu.memory_space<vmem_shared>>
      tpu.enqueue_dma source(%arg5 : memref<632x128xf32, #tpu.memory_space<hbm>>) target(%dma_start3A_291 : memref<632x128xf32, #tpu.memory_space<vmem_shared>>) target_semaphore(%run_scoped3A : memref<!tpu.dma_semaphore, #tpu.memory_space<semaphore_mem>>)
      %dma_wait3A_292 = arith.constant 0 : i32
      %dma_wait3A_293 = tpu.memref_slice %arg17[%mul3A_27, %dma_wait3A_292] : memref<10112x128xf32, #tpu.memory_space<vmem_shared>> -> memref<632x128xf32, #tpu.memory_space<vmem_shared>>
      tpu.wait_dma2 semaphore(%run_scoped3A : memref<!tpu.dma_semaphore, #tpu.memory_space<semaphore_mem>>) src(%arg5 : memref<632x128xf32, #tpu.memory_space<hbm>>) dst(%dma_wait3A_293 : memref<632x128xf32, #tpu.memory_space<vmem_shared>>)
      tpu.yield
    }) : () -> ()
    %add3A_28 = arith.constant 0 : i32
    %add3A_29 = arith.addi %mul3A_2, %add3A_28 : i32
    %dma_wait3A = tpu.memref_slice %arg3[%add3A_29] : memref<322560xi32, #tpu.memory_space<hbm>> -> memref<80xi32, #tpu.memory_space<hbm>>
    %dma_wait3A_30 = tpu.memref_slice %arg3[%add3A_29] : memref<322560xi32, #tpu.memory_space<hbm>> -> memref<80xi32, #tpu.memory_space<hbm>>
    tpu.wait_dma2 semaphore(%arg22 : memref<!tpu.dma_semaphore, #tpu.memory_space<semaphore_mem>>) src(%dma_wait3A_30 : memref<80xi32, #tpu.memory_space<hbm>>) dst(%arg7 : memref<80xi32, #tpu.memory_space<vmem>>)
    %add3A_31 = arith.constant 0 : i32
    %add3A_32 = arith.addi %mul3A_2, %add3A_31 : i32
    %dma_wait3A_33 = tpu.memref_slice %arg4[%add3A_32] : memref<322560xi32, #tpu.memory_space<hbm>> -> memref<80xi32, #tpu.memory_space<hbm>>
    %dma_wait3A_34 = tpu.memref_slice %arg4[%add3A_32] : memref<322560xi32, #tpu.memory_space<hbm>> -> memref<80xi32, #tpu.memory_space<hbm>>
    tpu.wait_dma2 semaphore(%arg22 : memref<!tpu.dma_semaphore, #tpu.memory_space<semaphore_mem>>) src(%dma_wait3A_34 : memref<80xi32, #tpu.memory_space<hbm>>) dst(%arg11 : memref<80xi32, #tpu.memory_space<vmem>>)
    %barrier3A = arith.constant 0 : index
    tpu.barrier barrier_id(%barrier3A)
    %dma_start3A_35 = arith.constant 0 : i32
    %dma_start3A_36 = arith.constant 0 : i32
    %dma_start3A_37 = tpu.memref_slice %arg2[%dma_start3A_35, %dma_start3A_36] : memref<10000x128xf32, #tpu.memory_space<hbm>> -> memref<10000x128xf32, #tpu.memory_space<hbm>>
    tpu.enqueue_indirect_dma source(%dma_start3A_37 : memref<10000x128xf32, #tpu.memory_space<hbm>>) target(%arg15 : memref<80x128xf32, #tpu.memory_space<vmem>>) offsets(%arg7 : memref<80xi32, #tpu.memory_space<vmem>>) semaphore(%arg18 : memref<!tpu.dma_semaphore, #tpu.memory_space<semaphore_mem>>)
    %dma_wait3A_38 = arith.constant 0 : i32
    %dma_wait3A_39 = arith.constant 0 : i32
    %dma_wait3A_40 = tpu.memref_slice %arg2[%dma_wait3A_38, %dma_wait3A_39] : memref<10000x128xf32, #tpu.memory_space<hbm>> -> memref<10000x128xf32, #tpu.memory_space<hbm>>
    tpu.wait_indirect_dma semaphore(%arg18 : memref<!tpu.dma_semaphore, #tpu.memory_space<semaphore_mem>>) src(%dma_wait3A_40 : memref<10000x128xf32, #tpu.memory_space<hbm>>) dst(%arg15 : memref<80x128xf32, #tpu.memory_space<vmem>>)
    %dma_start3A_41 = arith.constant 0 : i32
    %dma_start3A_42 = arith.constant 0 : i32
    %dma_start3A_43 = tpu.memref_slice %arg17[%dma_start3A_41, %dma_start3A_42] : memref<10112x128xf32, #tpu.memory_space<vmem_shared>> -> memref<10112x128xf32, #tpu.memory_space<vmem_shared>>
    tpu.enqueue_indirect_dma source(%arg15 : memref<80x128xf32, #tpu.memory_space<vmem>>) target(%dma_start3A_43 : memref<10112x128xf32, #tpu.memory_space<vmem_shared>>) offsets(%arg11 : memref<80xi32, #tpu.memory_space<vmem>>) semaphore(%arg20 : memref<!tpu.dma_semaphore, #tpu.memory_space<semaphore_mem>>) {add = true}
    %add3A_44 = arith.constant 240 : i32
    %add3A_45 = arith.addi %mul3A_2, %add3A_44 : i32
    %dma_start3A_46 = tpu.memref_slice %arg3[%add3A_45] : memref<322560xi32, #tpu.memory_space<hbm>> -> memref<80xi32, #tpu.memory_space<hbm>>
    %dma_start3A_47 = tpu.memref_slice %arg3[%add3A_45] : memref<322560xi32, #tpu.memory_space<hbm>> -> memref<80xi32, #tpu.memory_space<hbm>>
    tpu.enqueue_dma source(%dma_start3A_47 : memref<80xi32, #tpu.memory_space<hbm>>) target(%arg10 : memref<80xi32, #tpu.memory_space<vmem>>) target_semaphore(%arg25 : memref<!tpu.dma_semaphore, #tpu.memory_space<semaphore_mem>>)
    %add3A_48 = arith.constant 240 : i32
    %add3A_49 = arith.addi %mul3A_2, %add3A_48 : i32
    %dma_start3A_50 = tpu.memref_slice %arg4[%add3A_49] : memref<322560xi32, #tpu.memory_space<hbm>> -> memref<80xi32, #tpu.memory_space<hbm>>
    %dma_start3A_51 = tpu.memref_slice %arg4[%add3A_49] : memref<322560xi32, #tpu.memory_space<hbm>> -> memref<80xi32, #tpu.memory_space<hbm>>
    tpu.enqueue_dma source(%dma_start3A_51 : memref<80xi32, #tpu.memory_space<hbm>>) target(%arg14 : memref<80xi32, #tpu.memory_space<vmem>>) target_semaphore(%arg25 : memref<!tpu.dma_semaphore, #tpu.memory_space<semaphore_mem>>)
    %add3A_52 = arith.constant 80 : i32
    %add3A_53 = arith.addi %mul3A_2, %add3A_52 : i32
    %dma_wait3A_54 = tpu.memref_slice %arg3[%add3A_53] : memref<322560xi32, #tpu.memory_space<hbm>> -> memref<80xi32, #tpu.memory_space<hbm>>
    %dma_wait3A_55 = tpu.memref_slice %arg3[%add3A_53] : memref<322560xi32, #tpu.memory_space<hbm>> -> memref<80xi32, #tpu.memory_space<hbm>>
    tpu.wait_dma2 semaphore(%arg23 : memref<!tpu.dma_semaphore, #tpu.memory_space<semaphore_mem>>) src(%dma_wait3A_55 : memref<80xi32, #tpu.memory_space<hbm>>) dst(%arg8 : memref<80xi32, #tpu.memory_space<vmem>>)
    %add3A_56 = arith.constant 80 : i32
    %add3A_57 = arith.addi %mul3A_2, %add3A_56 : i32
    %dma_wait3A_58 = tpu.memref_slice %arg4[%add3A_57] : memref<322560xi32, #tpu.memory_space<hbm>> -> memref<80xi32, #tpu.memory_space<hbm>>
    %dma_wait3A_59 = tpu.memref_slice %arg4[%add3A_57] : memref<322560xi32, #tpu.memory_space<hbm>> -> memref<80xi32, #tpu.memory_space<hbm>>
    tpu.wait_dma2 semaphore(%arg23 : memref<!tpu.dma_semaphore, #tpu.memory_space<semaphore_mem>>) src(%dma_wait3A_59 : memref<80xi32, #tpu.memory_space<hbm>>) dst(%arg12 : memref<80xi32, #tpu.memory_space<vmem>>)
    %dma_start3A_60 = arith.constant 0 : i32
    %dma_start3A_61 = arith.constant 0 : i32
    %dma_start3A_62 = tpu.memref_slice %arg2[%dma_start3A_60, %dma_start3A_61] : memref<10000x128xf32, #tpu.memory_space<hbm>> -> memref<10000x128xf32, #tpu.memory_space<hbm>>
    tpu.enqueue_indirect_dma source(%dma_start3A_62 : memref<10000x128xf32, #tpu.memory_space<hbm>>) target(%arg16 : memref<80x128xf32, #tpu.memory_space<vmem>>) offsets(%arg8 : memref<80xi32, #tpu.memory_space<vmem>>) semaphore(%arg19 : memref<!tpu.dma_semaphore, #tpu.memory_space<semaphore_mem>>)
    %dma_wait3A_63 = arith.constant 0 : i32
    %dma_wait3A_64 = arith.constant 0 : i32
    %dma_wait3A_65 = tpu.memref_slice %arg2[%dma_wait3A_63, %dma_wait3A_64] : memref<10000x128xf32, #tpu.memory_space<hbm>> -> memref<10000x128xf32, #tpu.memory_space<hbm>>
    tpu.wait_indirect_dma semaphore(%arg19 : memref<!tpu.dma_semaphore, #tpu.memory_space<semaphore_mem>>) src(%dma_wait3A_65 : memref<10000x128xf32, #tpu.memory_space<hbm>>) dst(%arg16 : memref<80x128xf32, #tpu.memory_space<vmem>>)
    %dma_start3A_66 = arith.constant 0 : i32
    %dma_start3A_67 = arith.constant 0 : i32
    %dma_start3A_68 = tpu.memref_slice %arg17[%dma_start3A_66, %dma_start3A_67] : memref<10112x128xf32, #tpu.memory_space<vmem_shared>> -> memref<10112x128xf32, #tpu.memory_space<vmem_shared>>
    tpu.enqueue_indirect_dma source(%arg16 : memref<80x128xf32, #tpu.memory_space<vmem>>) target(%dma_start3A_68 : memref<10112x128xf32, #tpu.memory_space<vmem_shared>>) offsets(%arg12 : memref<80xi32, #tpu.memory_space<vmem>>) semaphore(%arg21 : memref<!tpu.dma_semaphore, #tpu.memory_space<semaphore_mem>>) {add = true}
    %dma_wait3A_69 = arith.constant 0 : i32
    %dma_wait3A_70 = arith.constant 0 : i32
    %dma_wait3A_71 = tpu.memref_slice %arg17[%dma_wait3A_69, %dma_wait3A_70] : memref<10112x128xf32, #tpu.memory_space<vmem_shared>> -> memref<10112x128xf32, #tpu.memory_space<vmem_shared>>
    tpu.wait_indirect_dma semaphore(%arg20 : memref<!tpu.dma_semaphore, #tpu.memory_space<semaphore_mem>>) src(%arg15 : memref<80x128xf32, #tpu.memory_space<vmem>>) dst(%dma_wait3A_71 : memref<10112x128xf32, #tpu.memory_space<vmem_shared>>)
    %add3A_72 = arith.constant 320 : i32
    %add3A_73 = arith.addi %mul3A_2, %add3A_72 : i32
    %dma_start3A_74 = tpu.memref_slice %arg3[%add3A_73] : memref<322560xi32, #tpu.memory_space<hbm>> -> memref<80xi32, #tpu.memory_space<hbm>>
    %dma_start3A_75 = tpu.memref_slice %arg3[%add3A_73] : memref<322560xi32, #tpu.memory_space<hbm>> -> memref<80xi32, #tpu.memory_space<hbm>>
    tpu.enqueue_dma source(%dma_start3A_75 : memref<80xi32, #tpu.memory_space<hbm>>) target(%arg7 : memref<80xi32, #tpu.memory_space<vmem>>) target_semaphore(%arg22 : memref<!tpu.dma_semaphore, #tpu.memory_space<semaphore_mem>>)
    %add3A_76 = arith.constant 320 : i32
    %add3A_77 = arith.addi %mul3A_2, %add3A_76 : i32
    %dma_start3A_78 = tpu.memref_slice %arg4[%add3A_77] : memref<322560xi32, #tpu.memory_space<hbm>> -> memref<80xi32, #tpu.memory_space<hbm>>
    %dma_start3A_79 = tpu.memref_slice %arg4[%add3A_77] : memref<322560xi32, #tpu.memory_space<hbm>> -> memref<80xi32, #tpu.memory_space<hbm>>
    tpu.enqueue_dma source(%dma_start3A_79 : memref<80xi32, #tpu.memory_space<hbm>>) target(%arg11 : memref<80xi32, #tpu.memory_space<vmem>>) target_semaphore(%arg22 : memref<!tpu.dma_semaphore, #tpu.memory_space<semaphore_mem>>)
    %add3A_80 = arith.constant 160 : i32
    %add3A_81 = arith.addi %mul3A_2, %add3A_80 : i32
    %dma_wait3A_82 = tpu.memref_slice %arg3[%add3A_81] : memref<322560xi32, #tpu.memory_space<hbm>> -> memref<80xi32, #tpu.memory_space<hbm>>
    %dma_wait3A_83 = tpu.memref_slice %arg3[%add3A_81] : memref<322560xi32, #tpu.memory_space<hbm>> -> memref<80xi32, #tpu.memory_space<hbm>>
    tpu.wait_dma2 semaphore(%arg24 : memref<!tpu.dma_semaphore, #tpu.memory_space<semaphore_mem>>) src(%dma_wait3A_83 : memref<80xi32, #tpu.memory_space<hbm>>) dst(%arg9 : memref<80xi32, #tpu.memory_space<vmem>>)
    %add3A_84 = arith.constant 160 : i32
    %add3A_85 = arith.addi %mul3A_2, %add3A_84 : i32
    %dma_wait3A_86 = tpu.memref_slice %arg4[%add3A_85] : memref<322560xi32, #tpu.memory_space<hbm>> -> memref<80xi32, #tpu.memory_space<hbm>>
    %dma_wait3A_87 = tpu.memref_slice %arg4[%add3A_85] : memref<322560xi32, #tpu.memory_space<hbm>> -> memref<80xi32, #tpu.memory_space<hbm>>
    tpu.wait_dma2 semaphore(%arg24 : memref<!tpu.dma_semaphore, #tpu.memory_space<semaphore_mem>>) src(%dma_wait3A_87 : memref<80xi32, #tpu.memory_space<hbm>>) dst(%arg13 : memref<80xi32, #tpu.memory_space<vmem>>)
    %dma_start3A_88 = arith.constant 0 : i32
    %dma_start3A_89 = arith.constant 0 : i32
    %dma_start3A_90 = tpu.memref_slice %arg2[%dma_start3A_88, %dma_start3A_89] : memref<10000x128xf32, #tpu.memory_space<hbm>> -> memref<10000x128xf32, #tpu.memory_space<hbm>>
    tpu.enqueue_indirect_dma source(%dma_start3A_90 : memref<10000x128xf32, #tpu.memory_space<hbm>>) target(%arg15 : memref<80x128xf32, #tpu.memory_space<vmem>>) offsets(%arg9 : memref<80xi32, #tpu.memory_space<vmem>>) semaphore(%arg18 : memref<!tpu.dma_semaphore, #tpu.memory_space<semaphore_mem>>)
    %dma_wait3A_91 = arith.constant 0 : i32
    %dma_wait3A_92 = arith.constant 0 : i32
    %dma_wait3A_93 = tpu.memref_slice %arg2[%dma_wait3A_91, %dma_wait3A_92] : memref<10000x128xf32, #tpu.memory_space<hbm>> -> memref<10000x128xf32, #tpu.memory_space<hbm>>
    tpu.wait_indirect_dma semaphore(%arg18 : memref<!tpu.dma_semaphore, #tpu.memory_space<semaphore_mem>>) src(%dma_wait3A_93 : memref<10000x128xf32, #tpu.memory_space<hbm>>) dst(%arg15 : memref<80x128xf32, #tpu.memory_space<vmem>>)
    %dma_start3A_94 = arith.constant 0 : i32
    %dma_start3A_95 = arith.constant 0 : i32
    %dma_start3A_96 = tpu.memref_slice %arg17[%dma_start3A_94, %dma_start3A_95] : memref<10112x128xf32, #tpu.memory_space<vmem_shared>> -> memref<10112x128xf32, #tpu.memory_space<vmem_shared>>
    tpu.enqueue_indirect_dma source(%arg15 : memref<80x128xf32, #tpu.memory_space<vmem>>) target(%dma_start3A_96 : memref<10112x128xf32, #tpu.memory_space<vmem_shared>>) offsets(%arg13 : memref<80xi32, #tpu.memory_space<vmem>>) semaphore(%arg20 : memref<!tpu.dma_semaphore, #tpu.memory_space<semaphore_mem>>) {add = true}
    %dma_wait3A_97 = arith.constant 0 : i32
    %dma_wait3A_98 = arith.constant 0 : i32
    %dma_wait3A_99 = tpu.memref_slice %arg17[%dma_wait3A_97, %dma_wait3A_98] : memref<10112x128xf32, #tpu.memory_space<vmem_shared>> -> memref<10112x128xf32, #tpu.memory_space<vmem_shared>>
    tpu.wait_indirect_dma semaphore(%arg21 : memref<!tpu.dma_semaphore, #tpu.memory_space<semaphore_mem>>) src(%arg16 : memref<80x128xf32, #tpu.memory_space<vmem>>) dst(%dma_wait3A_99 : memref<10112x128xf32, #tpu.memory_space<vmem_shared>>)
    %add3A_100 = arith.constant 400 : i32
    %add3A_101 = arith.addi %mul3A_2, %add3A_100 : i32
    %dma_start3A_102 = tpu.memref_slice %arg3[%add3A_101] : memref<322560xi32, #tpu.memory_space<hbm>> -> memref<80xi32, #tpu.memory_space<hbm>>
    %dma_start3A_103 = tpu.memref_slice %arg3[%add3A_101] : memref<322560xi32, #tpu.memory_space<hbm>> -> memref<80xi32, #tpu.memory_space<hbm>>
    tpu.enqueue_dma source(%dma_start3A_103 : memref<80xi32, #tpu.memory_space<hbm>>) target(%arg8 : memref<80xi32, #tpu.memory_space<vmem>>) target_semaphore(%arg23 : memref<!tpu.dma_semaphore, #tpu.memory_space<semaphore_mem>>)
    %add3A_104 = arith.constant 400 : i32
    %add3A_105 = arith.addi %mul3A_2, %add3A_104 : i32
    %dma_start3A_106 = tpu.memref_slice %arg4[%add3A_105] : memref<322560xi32, #tpu.memory_space<hbm>> -> memref<80xi32, #tpu.memory_space<hbm>>
    %dma_start3A_107 = tpu.memref_slice %arg4[%add3A_105] : memref<322560xi32, #tpu.memory_space<hbm>> -> memref<80xi32, #tpu.memory_space<hbm>>
    tpu.enqueue_dma source(%dma_start3A_107 : memref<80xi32, #tpu.memory_space<hbm>>) target(%arg12 : memref<80xi32, #tpu.memory_space<vmem>>) target_semaphore(%arg23 : memref<!tpu.dma_semaphore, #tpu.memory_space<semaphore_mem>>)
    %add3A_108 = arith.constant 240 : i32
    %add3A_109 = arith.addi %mul3A_2, %add3A_108 : i32
    %dma_wait3A_110 = tpu.memref_slice %arg3[%add3A_109] : memref<322560xi32, #tpu.memory_space<hbm>> -> memref<80xi32, #tpu.memory_space<hbm>>
    %dma_wait3A_111 = tpu.memref_slice %arg3[%add3A_109] : memref<322560xi32, #tpu.memory_space<hbm>> -> memref<80xi32, #tpu.memory_space<hbm>>
    tpu.wait_dma2 semaphore(%arg25 : memref<!tpu.dma_semaphore, #tpu.memory_space<semaphore_mem>>) src(%dma_wait3A_111 : memref<80xi32, #tpu.memory_space<hbm>>) dst(%arg10 : memref<80xi32, #tpu.memory_space<vmem>>)
    %add3A_112 = arith.constant 240 : i32
    %add3A_113 = arith.addi %mul3A_2, %add3A_112 : i32
    %dma_wait3A_114 = tpu.memref_slice %arg4[%add3A_113] : memref<322560xi32, #tpu.memory_space<hbm>> -> memref<80xi32, #tpu.memory_space<hbm>>
    %dma_wait3A_115 = tpu.memref_slice %arg4[%add3A_113] : memref<322560xi32, #tpu.memory_space<hbm>> -> memref<80xi32, #tpu.memory_space<hbm>>
    tpu.wait_dma2 semaphore(%arg25 : memref<!tpu.dma_semaphore, #tpu.memory_space<semaphore_mem>>) src(%dma_wait3A_115 : memref<80xi32, #tpu.memory_space<hbm>>) dst(%arg14 : memref<80xi32, #tpu.memory_space<vmem>>)
    %dma_start3A_116 = arith.constant 0 : i32
    %dma_start3A_117 = arith.constant 0 : i32
    %dma_start3A_118 = tpu.memref_slice %arg2[%dma_start3A_116, %dma_start3A_117] : memref<10000x128xf32, #tpu.memory_space<hbm>> -> memref<10000x128xf32, #tpu.memory_space<hbm>>
    tpu.enqueue_indirect_dma source(%dma_start3A_118 : memref<10000x128xf32, #tpu.memory_space<hbm>>) target(%arg16 : memref<80x128xf32, #tpu.memory_space<vmem>>) offsets(%arg10 : memref<80xi32, #tpu.memory_space<vmem>>) semaphore(%arg19 : memref<!tpu.dma_semaphore, #tpu.memory_space<semaphore_mem>>)
    %dma_wait3A_119 = arith.constant 0 : i32
    %dma_wait3A_120 = arith.constant 0 : i32
    %dma_wait3A_121 = tpu.memref_slice %arg2[%dma_wait3A_119, %dma_wait3A_120] : memref<10000x128xf32, #tpu.memory_space<hbm>> -> memref<10000x128xf32, #tpu.memory_space<hbm>>
    tpu.wait_indirect_dma semaphore(%arg19 : memref<!tpu.dma_semaphore, #tpu.memory_space<semaphore_mem>>) src(%dma_wait3A_121 : memref<10000x128xf32, #tpu.memory_space<hbm>>) dst(%arg16 : memref<80x128xf32, #tpu.memory_space<vmem>>)
    %dma_start3A_122 = arith.constant 0 : i32
    %dma_start3A_123 = arith.constant 0 : i32
    %dma_start3A_124 = tpu.memref_slice %arg17[%dma_start3A_122, %dma_start3A_123] : memref<10112x128xf32, #tpu.memory_space<vmem_shared>> -> memref<10112x128xf32, #tpu.memory_space<vmem_shared>>
    tpu.enqueue_indirect_dma source(%arg16 : memref<80x128xf32, #tpu.memory_space<vmem>>) target(%dma_start3A_124 : memref<10112x128xf32, #tpu.memory_space<vmem_shared>>) offsets(%arg14 : memref<80xi32, #tpu.memory_space<vmem>>) semaphore(%arg21 : memref<!tpu.dma_semaphore, #tpu.memory_space<semaphore_mem>>) {add = true}
    %dma_wait3A_125 = arith.constant 0 : i32
    %dma_wait3A_126 = arith.constant 0 : i32
    %dma_wait3A_127 = tpu.memref_slice %arg17[%dma_wait3A_125, %dma_wait3A_126] : memref<10112x128xf32, #tpu.memory_space<vmem_shared>> -> memref<10112x128xf32, #tpu.memory_space<vmem_shared>>
    tpu.wait_indirect_dma semaphore(%arg20 : memref<!tpu.dma_semaphore, #tpu.memory_space<semaphore_mem>>) src(%arg15 : memref<80x128xf32, #tpu.memory_space<vmem>>) dst(%dma_wait3A_127 : memref<10112x128xf32, #tpu.memory_space<vmem_shared>>)
    %add3A_128 = arith.constant 480 : i32
    %add3A_129 = arith.addi %mul3A_2, %add3A_128 : i32
    %dma_start3A_130 = tpu.memref_slice %arg3[%add3A_129] : memref<322560xi32, #tpu.memory_space<hbm>> -> memref<80xi32, #tpu.memory_space<hbm>>
    %dma_start3A_131 = tpu.memref_slice %arg3[%add3A_129] : memref<322560xi32, #tpu.memory_space<hbm>> -> memref<80xi32, #tpu.memory_space<hbm>>
    tpu.enqueue_dma source(%dma_start3A_131 : memref<80xi32, #tpu.memory_space<hbm>>) target(%arg9 : memref<80xi32, #tpu.memory_space<vmem>>) target_semaphore(%arg24 : memref<!tpu.dma_semaphore, #tpu.memory_space<semaphore_mem>>)
    %add3A_132 = arith.constant 480 : i32
    %add3A_133 = arith.addi %mul3A_2, %add3A_132 : i32
    %dma_start3A_134 = tpu.memref_slice %arg4[%add3A_133] : memref<322560xi32, #tpu.memory_space<hbm>> -> memref<80xi32, #tpu.memory_space<hbm>>
    %dma_start3A_135 = tpu.memref_slice %arg4[%add3A_133] : memref<322560xi32, #tpu.memory_space<hbm>> -> memref<80xi32, #tpu.memory_space<hbm>>
    tpu.enqueue_dma source(%dma_start3A_135 : memref<80xi32, #tpu.memory_space<hbm>>) target(%arg13 : memref<80xi32, #tpu.memory_space<vmem>>) target_semaphore(%arg24 : memref<!tpu.dma_semaphore, #tpu.memory_space<semaphore_mem>>)
    %add3A_136 = arith.constant 320 : i32
    %add3A_137 = arith.addi %mul3A_2, %add3A_136 : i32
    %dma_wait3A_138 = tpu.memref_slice %arg3[%add3A_137] : memref<322560xi32, #tpu.memory_space<hbm>> -> memref<80xi32, #tpu.memory_space<hbm>>
    %dma_wait3A_139 = tpu.memref_slice %arg3[%add3A_137] : memref<322560xi32, #tpu.memory_space<hbm>> -> memref<80xi32, #tpu.memory_space<hbm>>
    tpu.wait_dma2 semaphore(%arg22 : memref<!tpu.dma_semaphore, #tpu.memory_space<semaphore_mem>>) src(%dma_wait3A_139 : memref<80xi32, #tpu.memory_space<hbm>>) dst(%arg7 : memref<80xi32, #tpu.memory_space<vmem>>)
    %add3A_140 = arith.constant 320 : i32
    %add3A_141 = arith.addi %mul3A_2, %add3A_140 : i32
    %dma_wait3A_142 = tpu.memref_slice %arg4[%add3A_141] : memref<322560xi32, #tpu.memory_space<hbm>> -> memref<80xi32, #tpu.memory_space<hbm>>
    %dma_wait3A_143 = tpu.memref_slice %arg4[%add3A_141] : memref<322560xi32, #tpu.memory_space<hbm>> -> memref<80xi32, #tpu.memory_space<hbm>>
    tpu.wait_dma2 semaphore(%arg22 : memref<!tpu.dma_semaphore, #tpu.memory_space<semaphore_mem>>) src(%dma_wait3A_143 : memref<80xi32, #tpu.memory_space<hbm>>) dst(%arg11 : memref<80xi32, #tpu.memory_space<vmem>>)
    %dma_start3A_144 = arith.constant 0 : i32
    %dma_start3A_145 = arith.constant 0 : i32
    %dma_start3A_146 = tpu.memref_slice %arg2[%dma_start3A_144, %dma_start3A_145] : memref<10000x128xf32, #tpu.memory_space<hbm>> -> memref<10000x128xf32, #tpu.memory_space<hbm>>
    tpu.enqueue_indirect_dma source(%dma_start3A_146 : memref<10000x128xf32, #tpu.memory_space<hbm>>) target(%arg15 : memref<80x128xf32, #tpu.memory_space<vmem>>) offsets(%arg7 : memref<80xi32, #tpu.memory_space<vmem>>) semaphore(%arg18 : memref<!tpu.dma_semaphore, #tpu.memory_space<semaphore_mem>>)
    %scan3A = arith.constant 0 : i32
    %scan3A_147 = arith.constant 29 : i32
    %scan3A_148 = arith.addi %scan3A, %scan3A_147 : i32
    %scan3A_149 = arith.constant 1 : i32
    scf.for %scan3A_290 = %scan3A to %scan3A_148 step %scan3A_149  : i32 {
      %mul3A_291 = arith.constant 4 : i32
      %mul3A_292 = arith.muli %scan3A_290, %mul3A_291 : i32
      %add3A_293 = arith.constant 4 : i32
      %add3A_294 = arith.addi %add3A_293, %mul3A_292 : i32
      %dma_wait3A_295 = arith.constant 0 : i32
      %dma_wait3A_296 = arith.constant 0 : i32
      %dma_wait3A_297 = tpu.memref_slice %arg2[%dma_wait3A_295, %dma_wait3A_296] : memref<10000x128xf32, #tpu.memory_space<hbm>> -> memref<10000x128xf32, #tpu.memory_space<hbm>>
      tpu.wait_indirect_dma semaphore(%arg18 : memref<!tpu.dma_semaphore, #tpu.memory_space<semaphore_mem>>) src(%dma_wait3A_297 : memref<10000x128xf32, #tpu.memory_space<hbm>>) dst(%arg15 : memref<80x128xf32, #tpu.memory_space<vmem>>)
      %dma_start3A_298 = arith.constant 0 : i32
      %dma_start3A_299 = arith.constant 0 : i32
      %dma_start3A_300 = tpu.memref_slice %arg17[%dma_start3A_298, %dma_start3A_299] : memref<10112x128xf32, #tpu.memory_space<vmem_shared>> -> memref<10112x128xf32, #tpu.memory_space<vmem_shared>>
      tpu.enqueue_indirect_dma source(%arg15 : memref<80x128xf32, #tpu.memory_space<vmem>>) target(%dma_start3A_300 : memref<10112x128xf32, #tpu.memory_space<vmem_shared>>) offsets(%arg11 : memref<80xi32, #tpu.memory_space<vmem>>) semaphore(%arg20 : memref<!tpu.dma_semaphore, #tpu.memory_space<semaphore_mem>>) {add = true}
      %dma_wait3A_301 = arith.constant 0 : i32
      %dma_wait3A_302 = arith.constant 0 : i32
      %dma_wait3A_303 = tpu.memref_slice %arg17[%dma_wait3A_301, %dma_wait3A_302] : memref<10112x128xf32, #tpu.memory_space<vmem_shared>> -> memref<10112x128xf32, #tpu.memory_space<vmem_shared>>
      tpu.wait_indirect_dma semaphore(%arg21 : memref<!tpu.dma_semaphore, #tpu.memory_space<semaphore_mem>>) src(%arg16 : memref<80x128xf32, #tpu.memory_space<vmem>>) dst(%dma_wait3A_303 : memref<10112x128xf32, #tpu.memory_space<vmem_shared>>)
      %add3A_304 = arith.constant 3 : i32
      %add3A_305 = arith.addi %add3A_294, %add3A_304 : i32
      %mul3A_306 = arith.constant 80 : i32
      %mul3A_307 = arith.muli %add3A_305, %mul3A_306 : i32
      %add3A_308 = arith.addi %mul3A_2, %mul3A_307 : i32
      %dma_start3A_309 = tpu.memref_slice %arg3[%add3A_308] : memref<322560xi32, #tpu.memory_space<hbm>> -> memref<80xi32, #tpu.memory_space<hbm>>
      %dma_start3A_310 = tpu.memref_slice %arg3[%add3A_308] : memref<322560xi32, #tpu.memory_space<hbm>> -> memref<80xi32, #tpu.memory_space<hbm>>
      tpu.enqueue_dma source(%dma_start3A_310 : memref<80xi32, #tpu.memory_space<hbm>>) target(%arg10 : memref<80xi32, #tpu.memory_space<vmem>>) target_semaphore(%arg25 : memref<!tpu.dma_semaphore, #tpu.memory_space<semaphore_mem>>)
      %mul3A_311 = arith.constant 80 : i32
      %mul3A_312 = arith.muli %add3A_305, %mul3A_311 : i32
      %add3A_313 = arith.addi %mul3A_2, %mul3A_312 : i32
      %dma_start3A_314 = tpu.memref_slice %arg4[%add3A_313] : memref<322560xi32, #tpu.memory_space<hbm>> -> memref<80xi32, #tpu.memory_space<hbm>>
      %dma_start3A_315 = tpu.memref_slice %arg4[%add3A_313] : memref<322560xi32, #tpu.memory_space<hbm>> -> memref<80xi32, #tpu.memory_space<hbm>>
      tpu.enqueue_dma source(%dma_start3A_315 : memref<80xi32, #tpu.memory_space<hbm>>) target(%arg14 : memref<80xi32, #tpu.memory_space<vmem>>) target_semaphore(%arg25 : memref<!tpu.dma_semaphore, #tpu.memory_space<semaphore_mem>>)
      %add3A_316 = arith.constant 1 : i32
      %add3A_317 = arith.addi %add3A_294, %add3A_316 : i32
      %mul3A_318 = arith.constant 80 : i32
      %mul3A_319 = arith.muli %add3A_317, %mul3A_318 : i32
      %add3A_320 = arith.addi %mul3A_2, %mul3A_319 : i32
      %dma_wait3A_321 = tpu.memref_slice %arg3[%add3A_320] : memref<322560xi32, #tpu.memory_space<hbm>> -> memref<80xi32, #tpu.memory_space<hbm>>
      %dma_wait3A_322 = tpu.memref_slice %arg3[%add3A_320] : memref<322560xi32, #tpu.memory_space<hbm>> -> memref<80xi32, #tpu.memory_space<hbm>>
      tpu.wait_dma2 semaphore(%arg23 : memref<!tpu.dma_semaphore, #tpu.memory_space<semaphore_mem>>) src(%dma_wait3A_322 : memref<80xi32, #tpu.memory_space<hbm>>) dst(%arg8 : memref<80xi32, #tpu.memory_space<vmem>>)
      %mul3A_323 = arith.constant 80 : i32
      %mul3A_324 = arith.muli %add3A_317, %mul3A_323 : i32
      %add3A_325 = arith.addi %mul3A_2, %mul3A_324 : i32
      %dma_wait3A_326 = tpu.memref_slice %arg4[%add3A_325] : memref<322560xi32, #tpu.memory_space<hbm>> -> memref<80xi32, #tpu.memory_space<hbm>>
      %dma_wait3A_327 = tpu.memref_slice %arg4[%add3A_325] : memref<322560xi32, #tpu.memory_space<hbm>> -> memref<80xi32, #tpu.memory_space<hbm>>
      tpu.wait_dma2 semaphore(%arg23 : memref<!tpu.dma_semaphore, #tpu.memory_space<semaphore_mem>>) src(%dma_wait3A_327 : memref<80xi32, #tpu.memory_space<hbm>>) dst(%arg12 : memref<80xi32, #tpu.memory_space<vmem>>)
      %dma_start3A_328 = arith.constant 0 : i32
      %dma_start3A_329 = arith.constant 0 : i32
      %dma_start3A_330 = tpu.memref_slice %arg2[%dma_start3A_328, %dma_start3A_329] : memref<10000x128xf32, #tpu.memory_space<hbm>> -> memref<10000x128xf32, #tpu.memory_space<hbm>>
      tpu.enqueue_indirect_dma source(%dma_start3A_330 : memref<10000x128xf32, #tpu.memory_space<hbm>>) target(%arg16 : memref<80x128xf32, #tpu.memory_space<vmem>>) offsets(%arg8 : memref<80xi32, #tpu.memory_space<vmem>>) semaphore(%arg19 : memref<!tpu.dma_semaphore, #tpu.memory_space<semaphore_mem>>)
      %add3A_331 = arith.constant 1 : i32
      %add3A_332 = arith.addi %add3A_294, %add3A_331 : i32
      %dma_wait3A_333 = arith.constant 0 : i32
      %dma_wait3A_334 = arith.constant 0 : i32
      %dma_wait3A_335 = tpu.memref_slice %arg2[%dma_wait3A_333, %dma_wait3A_334] : memref<10000x128xf32, #tpu.memory_space<hbm>> -> memref<10000x128xf32, #tpu.memory_space<hbm>>
      tpu.wait_indirect_dma semaphore(%arg19 : memref<!tpu.dma_semaphore, #tpu.memory_space<semaphore_mem>>) src(%dma_wait3A_335 : memref<10000x128xf32, #tpu.memory_space<hbm>>) dst(%arg16 : memref<80x128xf32, #tpu.memory_space<vmem>>)
      %dma_start3A_336 = arith.constant 0 : i32
      %dma_start3A_337 = arith.constant 0 : i32
      %dma_start3A_338 = tpu.memref_slice %arg17[%dma_start3A_336, %dma_start3A_337] : memref<10112x128xf32, #tpu.memory_space<vmem_shared>> -> memref<10112x128xf32, #tpu.memory_space<vmem_shared>>
      tpu.enqueue_indirect_dma source(%arg16 : memref<80x128xf32, #tpu.memory_space<vmem>>) target(%dma_start3A_338 : memref<10112x128xf32, #tpu.memory_space<vmem_shared>>) offsets(%arg12 : memref<80xi32, #tpu.memory_space<vmem>>) semaphore(%arg21 : memref<!tpu.dma_semaphore, #tpu.memory_space<semaphore_mem>>) {add = true}
      %dma_wait3A_339 = arith.constant 0 : i32
      %dma_wait3A_340 = arith.constant 0 : i32
      %dma_wait3A_341 = tpu.memref_slice %arg17[%dma_wait3A_339, %dma_wait3A_340] : memref<10112x128xf32, #tpu.memory_space<vmem_shared>> -> memref<10112x128xf32, #tpu.memory_space<vmem_shared>>
      tpu.wait_indirect_dma semaphore(%arg20 : memref<!tpu.dma_semaphore, #tpu.memory_space<semaphore_mem>>) src(%arg15 : memref<80x128xf32, #tpu.memory_space<vmem>>) dst(%dma_wait3A_341 : memref<10112x128xf32, #tpu.memory_space<vmem_shared>>)
      %add3A_342 = arith.constant 3 : i32
      %add3A_343 = arith.addi %add3A_332, %add3A_342 : i32
      %mul3A_344 = arith.constant 80 : i32
      %mul3A_345 = arith.muli %add3A_343, %mul3A_344 : i32
      %add3A_346 = arith.addi %mul3A_2, %mul3A_345 : i32
      %dma_start3A_347 = tpu.memref_slice %arg3[%add3A_346] : memref<322560xi32, #tpu.memory_space<hbm>> -> memref<80xi32, #tpu.memory_space<hbm>>
      %dma_start3A_348 = tpu.memref_slice %arg3[%add3A_346] : memref<322560xi32, #tpu.memory_space<hbm>> -> memref<80xi32, #tpu.memory_space<hbm>>
      tpu.enqueue_dma source(%dma_start3A_348 : memref<80xi32, #tpu.memory_space<hbm>>) target(%arg7 : memref<80xi32, #tpu.memory_space<vmem>>) target_semaphore(%arg22 : memref<!tpu.dma_semaphore, #tpu.memory_space<semaphore_mem>>)
      %mul3A_349 = arith.constant 80 : i32
      %mul3A_350 = arith.muli %add3A_343, %mul3A_349 : i32
      %add3A_351 = arith.addi %mul3A_2, %mul3A_350 : i32
      %dma_start3A_352 = tpu.memref_slice %arg4[%add3A_351] : memref<322560xi32, #tpu.memory_space<hbm>> -> memref<80xi32, #tpu.memory_space<hbm>>
      %dma_start3A_353 = tpu.memref_slice %arg4[%add3A_351] : memref<322560xi32, #tpu.memory_space<hbm>> -> memref<80xi32, #tpu.memory_space<hbm>>
      tpu.enqueue_dma source(%dma_start3A_353 : memref<80xi32, #tpu.memory_space<hbm>>) target(%arg11 : memref<80xi32, #tpu.memory_space<vmem>>) target_semaphore(%arg22 : memref<!tpu.dma_semaphore, #tpu.memory_space<semaphore_mem>>)
      %add3A_354 = arith.constant 1 : i32
      %add3A_355 = arith.addi %add3A_332, %add3A_354 : i32
      %mul3A_356 = arith.constant 80 : i32
      %mul3A_357 = arith.muli %add3A_355, %mul3A_356 : i32
      %add3A_358 = arith.addi %mul3A_2, %mul3A_357 : i32
      %dma_wait3A_359 = tpu.memref_slice %arg3[%add3A_358] : memref<322560xi32, #tpu.memory_space<hbm>> -> memref<80xi32, #tpu.memory_space<hbm>>
      %dma_wait3A_360 = tpu.memref_slice %arg3[%add3A_358] : memref<322560xi32, #tpu.memory_space<hbm>> -> memref<80xi32, #tpu.memory_space<hbm>>
      tpu.wait_dma2 semaphore(%arg24 : memref<!tpu.dma_semaphore, #tpu.memory_space<semaphore_mem>>) src(%dma_wait3A_360 : memref<80xi32, #tpu.memory_space<hbm>>) dst(%arg9 : memref<80xi32, #tpu.memory_space<vmem>>)
      %mul3A_361 = arith.constant 80 : i32
      %mul3A_362 = arith.muli %add3A_355, %mul3A_361 : i32
      %add3A_363 = arith.addi %mul3A_2, %mul3A_362 : i32
      %dma_wait3A_364 = tpu.memref_slice %arg4[%add3A_363] : memref<322560xi32, #tpu.memory_space<hbm>> -> memref<80xi32, #tpu.memory_space<hbm>>
      %dma_wait3A_365 = tpu.memref_slice %arg4[%add3A_363] : memref<322560xi32, #tpu.memory_space<hbm>> -> memref<80xi32, #tpu.memory_space<hbm>>
      tpu.wait_dma2 semaphore(%arg24 : memref<!tpu.dma_semaphore, #tpu.memory_space<semaphore_mem>>) src(%dma_wait3A_365 : memref<80xi32, #tpu.memory_space<hbm>>) dst(%arg13 : memref<80xi32, #tpu.memory_space<vmem>>)
      %dma_start3A_366 = arith.constant 0 : i32
      %dma_start3A_367 = arith.constant 0 : i32
      %dma_start3A_368 = tpu.memref_slice %arg2[%dma_start3A_366, %dma_start3A_367] : memref<10000x128xf32, #tpu.memory_space<hbm>> -> memref<10000x128xf32, #tpu.memory_space<hbm>>
      tpu.enqueue_indirect_dma source(%dma_start3A_368 : memref<10000x128xf32, #tpu.memory_space<hbm>>) target(%arg15 : memref<80x128xf32, #tpu.memory_space<vmem>>) offsets(%arg9 : memref<80xi32, #tpu.memory_space<vmem>>) semaphore(%arg18 : memref<!tpu.dma_semaphore, #tpu.memory_space<semaphore_mem>>)
      %add3A_369 = arith.constant 2 : i32
      %add3A_370 = arith.addi %add3A_294, %add3A_369 : i32
      %dma_wait3A_371 = arith.constant 0 : i32
      %dma_wait3A_372 = arith.constant 0 : i32
      %dma_wait3A_373 = tpu.memref_slice %arg2[%dma_wait3A_371, %dma_wait3A_372] : memref<10000x128xf32, #tpu.memory_space<hbm>> -> memref<10000x128xf32, #tpu.memory_space<hbm>>
      tpu.wait_indirect_dma semaphore(%arg18 : memref<!tpu.dma_semaphore, #tpu.memory_space<semaphore_mem>>) src(%dma_wait3A_373 : memref<10000x128xf32, #tpu.memory_space<hbm>>) dst(%arg15 : memref<80x128xf32, #tpu.memory_space<vmem>>)
      %dma_start3A_374 = arith.constant 0 : i32
      %dma_start3A_375 = arith.constant 0 : i32
      %dma_start3A_376 = tpu.memref_slice %arg17[%dma_start3A_374, %dma_start3A_375] : memref<10112x128xf32, #tpu.memory_space<vmem_shared>> -> memref<10112x128xf32, #tpu.memory_space<vmem_shared>>
      tpu.enqueue_indirect_dma source(%arg15 : memref<80x128xf32, #tpu.memory_space<vmem>>) target(%dma_start3A_376 : memref<10112x128xf32, #tpu.memory_space<vmem_shared>>) offsets(%arg13 : memref<80xi32, #tpu.memory_space<vmem>>) semaphore(%arg20 : memref<!tpu.dma_semaphore, #tpu.memory_space<semaphore_mem>>) {add = true}
      %dma_wait3A_377 = arith.constant 0 : i32
      %dma_wait3A_378 = arith.constant 0 : i32
      %dma_wait3A_379 = tpu.memref_slice %arg17[%dma_wait3A_377, %dma_wait3A_378] : memref<10112x128xf32, #tpu.memory_space<vmem_shared>> -> memref<10112x128xf32, #tpu.memory_space<vmem_shared>>
      tpu.wait_indirect_dma semaphore(%arg21 : memref<!tpu.dma_semaphore, #tpu.memory_space<semaphore_mem>>) src(%arg16 : memref<80x128xf32, #tpu.memory_space<vmem>>) dst(%dma_wait3A_379 : memref<10112x128xf32, #tpu.memory_space<vmem_shared>>)
      %add3A_380 = arith.constant 3 : i32
      %add3A_381 = arith.addi %add3A_370, %add3A_380 : i32
      %mul3A_382 = arith.constant 80 : i32
      %mul3A_383 = arith.muli %add3A_381, %mul3A_382 : i32
      %add3A_384 = arith.addi %mul3A_2, %mul3A_383 : i32
      %dma_start3A_385 = tpu.memref_slice %arg3[%add3A_384] : memref<322560xi32, #tpu.memory_space<hbm>> -> memref<80xi32, #tpu.memory_space<hbm>>
      %dma_start3A_386 = tpu.memref_slice %arg3[%add3A_384] : memref<322560xi32, #tpu.memory_space<hbm>> -> memref<80xi32, #tpu.memory_space<hbm>>
      tpu.enqueue_dma source(%dma_start3A_386 : memref<80xi32, #tpu.memory_space<hbm>>) target(%arg8 : memref<80xi32, #tpu.memory_space<vmem>>) target_semaphore(%arg23 : memref<!tpu.dma_semaphore, #tpu.memory_space<semaphore_mem>>)
      %mul3A_387 = arith.constant 80 : i32
      %mul3A_388 = arith.muli %add3A_381, %mul3A_387 : i32
      %add3A_389 = arith.addi %mul3A_2, %mul3A_388 : i32
      %dma_start3A_390 = tpu.memref_slice %arg4[%add3A_389] : memref<322560xi32, #tpu.memory_space<hbm>> -> memref<80xi32, #tpu.memory_space<hbm>>
      %dma_start3A_391 = tpu.memref_slice %arg4[%add3A_389] : memref<322560xi32, #tpu.memory_space<hbm>> -> memref<80xi32, #tpu.memory_space<hbm>>
      tpu.enqueue_dma source(%dma_start3A_391 : memref<80xi32, #tpu.memory_space<hbm>>) target(%arg12 : memref<80xi32, #tpu.memory_space<vmem>>) target_semaphore(%arg23 : memref<!tpu.dma_semaphore, #tpu.memory_space<semaphore_mem>>)
      %add3A_392 = arith.constant 1 : i32
      %add3A_393 = arith.addi %add3A_370, %add3A_392 : i32
      %mul3A_394 = arith.constant 80 : i32
      %mul3A_395 = arith.muli %add3A_393, %mul3A_394 : i32
      %add3A_396 = arith.addi %mul3A_2, %mul3A_395 : i32
      %dma_wait3A_397 = tpu.memref_slice %arg3[%add3A_396] : memref<322560xi32, #tpu.memory_space<hbm>> -> memref<80xi32, #tpu.memory_space<hbm>>
      %dma_wait3A_398 = tpu.memref_slice %arg3[%add3A_396] : memref<322560xi32, #tpu.memory_space<hbm>> -> memref<80xi32, #tpu.memory_space<hbm>>
      tpu.wait_dma2 semaphore(%arg25 : memref<!tpu.dma_semaphore, #tpu.memory_space<semaphore_mem>>) src(%dma_wait3A_398 : memref<80xi32, #tpu.memory_space<hbm>>) dst(%arg10 : memref<80xi32, #tpu.memory_space<vmem>>)
      %mul3A_399 = arith.constant 80 : i32
      %mul3A_400 = arith.muli %add3A_393, %mul3A_399 : i32
      %add3A_401 = arith.addi %mul3A_2, %mul3A_400 : i32
      %dma_wait3A_402 = tpu.memref_slice %arg4[%add3A_401] : memref<322560xi32, #tpu.memory_space<hbm>> -> memref<80xi32, #tpu.memory_space<hbm>>
      %dma_wait3A_403 = tpu.memref_slice %arg4[%add3A_401] : memref<322560xi32, #tpu.memory_space<hbm>> -> memref<80xi32, #tpu.memory_space<hbm>>
      tpu.wait_dma2 semaphore(%arg25 : memref<!tpu.dma_semaphore, #tpu.memory_space<semaphore_mem>>) src(%dma_wait3A_403 : memref<80xi32, #tpu.memory_space<hbm>>) dst(%arg14 : memref<80xi32, #tpu.memory_space<vmem>>)
      %dma_start3A_404 = arith.constant 0 : i32
      %dma_start3A_405 = arith.constant 0 : i32
      %dma_start3A_406 = tpu.memref_slice %arg2[%dma_start3A_404, %dma_start3A_405] : memref<10000x128xf32, #tpu.memory_space<hbm>> -> memref<10000x128xf32, #tpu.memory_space<hbm>>
      tpu.enqueue_indirect_dma source(%dma_start3A_406 : memref<10000x128xf32, #tpu.memory_space<hbm>>) target(%arg16 : memref<80x128xf32, #tpu.memory_space<vmem>>) offsets(%arg10 : memref<80xi32, #tpu.memory_space<vmem>>) semaphore(%arg19 : memref<!tpu.dma_semaphore, #tpu.memory_space<semaphore_mem>>)
      %add3A_407 = arith.constant 3 : i32
      %add3A_408 = arith.addi %add3A_294, %add3A_407 : i32
      %dma_wait3A_409 = arith.constant 0 : i32
      %dma_wait3A_410 = arith.constant 0 : i32
      %dma_wait3A_411 = tpu.memref_slice %arg2[%dma_wait3A_409, %dma_wait3A_410] : memref<10000x128xf32, #tpu.memory_space<hbm>> -> memref<10000x128xf32, #tpu.memory_space<hbm>>
      tpu.wait_indirect_dma semaphore(%arg19 : memref<!tpu.dma_semaphore, #tpu.memory_space<semaphore_mem>>) src(%dma_wait3A_411 : memref<10000x128xf32, #tpu.memory_space<hbm>>) dst(%arg16 : memref<80x128xf32, #tpu.memory_space<vmem>>)
      %dma_start3A_412 = arith.constant 0 : i32
      %dma_start3A_413 = arith.constant 0 : i32
      %dma_start3A_414 = tpu.memref_slice %arg17[%dma_start3A_412, %dma_start3A_413] : memref<10112x128xf32, #tpu.memory_space<vmem_shared>> -> memref<10112x128xf32, #tpu.memory_space<vmem_shared>>
      tpu.enqueue_indirect_dma source(%arg16 : memref<80x128xf32, #tpu.memory_space<vmem>>) target(%dma_start3A_414 : memref<10112x128xf32, #tpu.memory_space<vmem_shared>>) offsets(%arg14 : memref<80xi32, #tpu.memory_space<vmem>>) semaphore(%arg21 : memref<!tpu.dma_semaphore, #tpu.memory_space<semaphore_mem>>) {add = true}
      %dma_wait3A_415 = arith.constant 0 : i32
      %dma_wait3A_416 = arith.constant 0 : i32
      %dma_wait3A_417 = tpu.memref_slice %arg17[%dma_wait3A_415, %dma_wait3A_416] : memref<10112x128xf32, #tpu.memory_space<vmem_shared>> -> memref<10112x128xf32, #tpu.memory_space<vmem_shared>>
      tpu.wait_indirect_dma semaphore(%arg20 : memref<!tpu.dma_semaphore, #tpu.memory_space<semaphore_mem>>) src(%arg15 : memref<80x128xf32, #tpu.memory_space<vmem>>) dst(%dma_wait3A_417 : memref<10112x128xf32, #tpu.memory_space<vmem_shared>>)
      %add3A_418 = arith.constant 3 : i32
      %add3A_419 = arith.addi %add3A_408, %add3A_418 : i32
      %mul3A_420 = arith.constant 80 : i32
      %mul3A_421 = arith.muli %add3A_419, %mul3A_420 : i32
      %add3A_422 = arith.addi %mul3A_2, %mul3A_421 : i32
      %dma_start3A_423 = tpu.memref_slice %arg3[%add3A_422] : memref<322560xi32, #tpu.memory_space<hbm>> -> memref<80xi32, #tpu.memory_space<hbm>>
      %dma_start3A_424 = tpu.memref_slice %arg3[%add3A_422] : memref<322560xi32, #tpu.memory_space<hbm>> -> memref<80xi32, #tpu.memory_space<hbm>>
      tpu.enqueue_dma source(%dma_start3A_424 : memref<80xi32, #tpu.memory_space<hbm>>) target(%arg9 : memref<80xi32, #tpu.memory_space<vmem>>) target_semaphore(%arg24 : memref<!tpu.dma_semaphore, #tpu.memory_space<semaphore_mem>>)
      %mul3A_425 = arith.constant 80 : i32
      %mul3A_426 = arith.muli %add3A_419, %mul3A_425 : i32
      %add3A_427 = arith.addi %mul3A_2, %mul3A_426 : i32
      %dma_start3A_428 = tpu.memref_slice %arg4[%add3A_427] : memref<322560xi32, #tpu.memory_space<hbm>> -> memref<80xi32, #tpu.memory_space<hbm>>
      %dma_start3A_429 = tpu.memref_slice %arg4[%add3A_427] : memref<322560xi32, #tpu.memory_space<hbm>> -> memref<80xi32, #tpu.memory_space<hbm>>
      tpu.enqueue_dma source(%dma_start3A_429 : memref<80xi32, #tpu.memory_space<hbm>>) target(%arg13 : memref<80xi32, #tpu.memory_space<vmem>>) target_semaphore(%arg24 : memref<!tpu.dma_semaphore, #tpu.memory_space<semaphore_mem>>)
      %add3A_430 = arith.constant 1 : i32
      %add3A_431 = arith.addi %add3A_408, %add3A_430 : i32
      %mul3A_432 = arith.constant 80 : i32
      %mul3A_433 = arith.muli %add3A_431, %mul3A_432 : i32
      %add3A_434 = arith.addi %mul3A_2, %mul3A_433 : i32
      %dma_wait3A_435 = tpu.memref_slice %arg3[%add3A_434] : memref<322560xi32, #tpu.memory_space<hbm>> -> memref<80xi32, #tpu.memory_space<hbm>>
      %dma_wait3A_436 = tpu.memref_slice %arg3[%add3A_434] : memref<322560xi32, #tpu.memory_space<hbm>> -> memref<80xi32, #tpu.memory_space<hbm>>
      tpu.wait_dma2 semaphore(%arg22 : memref<!tpu.dma_semaphore, #tpu.memory_space<semaphore_mem>>) src(%dma_wait3A_436 : memref<80xi32, #tpu.memory_space<hbm>>) dst(%arg7 : memref<80xi32, #tpu.memory_space<vmem>>)
      %mul3A_437 = arith.constant 80 : i32
      %mul3A_438 = arith.muli %add3A_431, %mul3A_437 : i32
      %add3A_439 = arith.addi %mul3A_2, %mul3A_438 : i32
      %dma_wait3A_440 = tpu.memref_slice %arg4[%add3A_439] : memref<322560xi32, #tpu.memory_space<hbm>> -> memref<80xi32, #tpu.memory_space<hbm>>
      %dma_wait3A_441 = tpu.memref_slice %arg4[%add3A_439] : memref<322560xi32, #tpu.memory_space<hbm>> -> memref<80xi32, #tpu.memory_space<hbm>>
      tpu.wait_dma2 semaphore(%arg22 : memref<!tpu.dma_semaphore, #tpu.memory_space<semaphore_mem>>) src(%dma_wait3A_441 : memref<80xi32, #tpu.memory_space<hbm>>) dst(%arg11 : memref<80xi32, #tpu.memory_space<vmem>>)
      %dma_start3A_442 = arith.constant 0 : i32
      %dma_start3A_443 = arith.constant 0 : i32
      %dma_start3A_444 = tpu.memref_slice %arg2[%dma_start3A_442, %dma_start3A_443] : memref<10000x128xf32, #tpu.memory_space<hbm>> -> memref<10000x128xf32, #tpu.memory_space<hbm>>
      tpu.enqueue_indirect_dma source(%dma_start3A_444 : memref<10000x128xf32, #tpu.memory_space<hbm>>) target(%arg15 : memref<80x128xf32, #tpu.memory_space<vmem>>) offsets(%arg7 : memref<80xi32, #tpu.memory_space<vmem>>) semaphore(%arg18 : memref<!tpu.dma_semaphore, #tpu.memory_space<semaphore_mem>>)
    }
    %scan3A_150 = arith.constant 29 : i32
    %dma_wait3A_151 = arith.constant 0 : i32
    %dma_wait3A_152 = arith.constant 0 : i32
    %dma_wait3A_153 = tpu.memref_slice %arg2[%dma_wait3A_151, %dma_wait3A_152] : memref<10000x128xf32, #tpu.memory_space<hbm>> -> memref<10000x128xf32, #tpu.memory_space<hbm>>
    tpu.wait_indirect_dma semaphore(%arg18 : memref<!tpu.dma_semaphore, #tpu.memory_space<semaphore_mem>>) src(%dma_wait3A_153 : memref<10000x128xf32, #tpu.memory_space<hbm>>) dst(%arg15 : memref<80x128xf32, #tpu.memory_space<vmem>>)
    %dma_start3A_154 = arith.constant 0 : i32
    %dma_start3A_155 = arith.constant 0 : i32
    %dma_start3A_156 = tpu.memref_slice %arg17[%dma_start3A_154, %dma_start3A_155] : memref<10112x128xf32, #tpu.memory_space<vmem_shared>> -> memref<10112x128xf32, #tpu.memory_space<vmem_shared>>
    tpu.enqueue_indirect_dma source(%arg15 : memref<80x128xf32, #tpu.memory_space<vmem>>) target(%dma_start3A_156 : memref<10112x128xf32, #tpu.memory_space<vmem_shared>>) offsets(%arg11 : memref<80xi32, #tpu.memory_space<vmem>>) semaphore(%arg20 : memref<!tpu.dma_semaphore, #tpu.memory_space<semaphore_mem>>) {add = true}
    %dma_wait3A_157 = arith.constant 0 : i32
    %dma_wait3A_158 = arith.constant 0 : i32
    %dma_wait3A_159 = tpu.memref_slice %arg17[%dma_wait3A_157, %dma_wait3A_158] : memref<10112x128xf32, #tpu.memory_space<vmem_shared>> -> memref<10112x128xf32, #tpu.memory_space<vmem_shared>>
    tpu.wait_indirect_dma semaphore(%arg21 : memref<!tpu.dma_semaphore, #tpu.memory_space<semaphore_mem>>) src(%arg16 : memref<80x128xf32, #tpu.memory_space<vmem>>) dst(%dma_wait3A_159 : memref<10112x128xf32, #tpu.memory_space<vmem_shared>>)
    %add3A_160 = arith.constant 9840 : i32
    %add3A_161 = arith.addi %mul3A_2, %add3A_160 : i32
    %dma_start3A_162 = tpu.memref_slice %arg3[%add3A_161] : memref<322560xi32, #tpu.memory_space<hbm>> -> memref<80xi32, #tpu.memory_space<hbm>>
    %dma_start3A_163 = tpu.memref_slice %arg3[%add3A_161] : memref<322560xi32, #tpu.memory_space<hbm>> -> memref<80xi32, #tpu.memory_space<hbm>>
    tpu.enqueue_dma source(%dma_start3A_163 : memref<80xi32, #tpu.memory_space<hbm>>) target(%arg10 : memref<80xi32, #tpu.memory_space<vmem>>) target_semaphore(%arg25 : memref<!tpu.dma_semaphore, #tpu.memory_space<semaphore_mem>>)
    %add3A_164 = arith.constant 9840 : i32
    %add3A_165 = arith.addi %mul3A_2, %add3A_164 : i32
    %dma_start3A_166 = tpu.memref_slice %arg4[%add3A_165] : memref<322560xi32, #tpu.memory_space<hbm>> -> memref<80xi32, #tpu.memory_space<hbm>>
    %dma_start3A_167 = tpu.memref_slice %arg4[%add3A_165] : memref<322560xi32, #tpu.memory_space<hbm>> -> memref<80xi32, #tpu.memory_space<hbm>>
    tpu.enqueue_dma source(%dma_start3A_167 : memref<80xi32, #tpu.memory_space<hbm>>) target(%arg14 : memref<80xi32, #tpu.memory_space<vmem>>) target_semaphore(%arg25 : memref<!tpu.dma_semaphore, #tpu.memory_space<semaphore_mem>>)
    %add3A_168 = arith.constant 9680 : i32
    %add3A_169 = arith.addi %mul3A_2, %add3A_168 : i32
    %dma_wait3A_170 = tpu.memref_slice %arg3[%add3A_169] : memref<322560xi32, #tpu.memory_space<hbm>> -> memref<80xi32, #tpu.memory_space<hbm>>
    %dma_wait3A_171 = tpu.memref_slice %arg3[%add3A_169] : memref<322560xi32, #tpu.memory_space<hbm>> -> memref<80xi32, #tpu.memory_space<hbm>>
    tpu.wait_dma2 semaphore(%arg23 : memref<!tpu.dma_semaphore, #tpu.memory_space<semaphore_mem>>) src(%dma_wait3A_171 : memref<80xi32, #tpu.memory_space<hbm>>) dst(%arg8 : memref<80xi32, #tpu.memory_space<vmem>>)
    %add3A_172 = arith.constant 9680 : i32
    %add3A_173 = arith.addi %mul3A_2, %add3A_172 : i32
    %dma_wait3A_174 = tpu.memref_slice %arg4[%add3A_173] : memref<322560xi32, #tpu.memory_space<hbm>> -> memref<80xi32, #tpu.memory_space<hbm>>
    %dma_wait3A_175 = tpu.memref_slice %arg4[%add3A_173] : memref<322560xi32, #tpu.memory_space<hbm>> -> memref<80xi32, #tpu.memory_space<hbm>>
    tpu.wait_dma2 semaphore(%arg23 : memref<!tpu.dma_semaphore, #tpu.memory_space<semaphore_mem>>) src(%dma_wait3A_175 : memref<80xi32, #tpu.memory_space<hbm>>) dst(%arg12 : memref<80xi32, #tpu.memory_space<vmem>>)
    %dma_start3A_176 = arith.constant 0 : i32
    %dma_start3A_177 = arith.constant 0 : i32
    %dma_start3A_178 = tpu.memref_slice %arg2[%dma_start3A_176, %dma_start3A_177] : memref<10000x128xf32, #tpu.memory_space<hbm>> -> memref<10000x128xf32, #tpu.memory_space<hbm>>
    tpu.enqueue_indirect_dma source(%dma_start3A_178 : memref<10000x128xf32, #tpu.memory_space<hbm>>) target(%arg16 : memref<80x128xf32, #tpu.memory_space<vmem>>) offsets(%arg8 : memref<80xi32, #tpu.memory_space<vmem>>) semaphore(%arg19 : memref<!tpu.dma_semaphore, #tpu.memory_space<semaphore_mem>>)
    %dma_wait3A_179 = arith.constant 0 : i32
    %dma_wait3A_180 = arith.constant 0 : i32
    %dma_wait3A_181 = tpu.memref_slice %arg2[%dma_wait3A_179, %dma_wait3A_180] : memref<10000x128xf32, #tpu.memory_space<hbm>> -> memref<10000x128xf32, #tpu.memory_space<hbm>>
    tpu.wait_indirect_dma semaphore(%arg19 : memref<!tpu.dma_semaphore, #tpu.memory_space<semaphore_mem>>) src(%dma_wait3A_181 : memref<10000x128xf32, #tpu.memory_space<hbm>>) dst(%arg16 : memref<80x128xf32, #tpu.memory_space<vmem>>)
    %dma_start3A_182 = arith.constant 0 : i32
    %dma_start3A_183 = arith.constant 0 : i32
    %dma_start3A_184 = tpu.memref_slice %arg17[%dma_start3A_182, %dma_start3A_183] : memref<10112x128xf32, #tpu.memory_space<vmem_shared>> -> memref<10112x128xf32, #tpu.memory_space<vmem_shared>>
    tpu.enqueue_indirect_dma source(%arg16 : memref<80x128xf32, #tpu.memory_space<vmem>>) target(%dma_start3A_184 : memref<10112x128xf32, #tpu.memory_space<vmem_shared>>) offsets(%arg12 : memref<80xi32, #tpu.memory_space<vmem>>) semaphore(%arg21 : memref<!tpu.dma_semaphore, #tpu.memory_space<semaphore_mem>>) {add = true}
    %dma_wait3A_185 = arith.constant 0 : i32
    %dma_wait3A_186 = arith.constant 0 : i32
    %dma_wait3A_187 = tpu.memref_slice %arg17[%dma_wait3A_185, %dma_wait3A_186] : memref<10112x128xf32, #tpu.memory_space<vmem_shared>> -> memref<10112x128xf32, #tpu.memory_space<vmem_shared>>
    tpu.wait_indirect_dma semaphore(%arg20 : memref<!tpu.dma_semaphore, #tpu.memory_space<semaphore_mem>>) src(%arg15 : memref<80x128xf32, #tpu.memory_space<vmem>>) dst(%dma_wait3A_187 : memref<10112x128xf32, #tpu.memory_space<vmem_shared>>)
    %add3A_188 = arith.constant 9920 : i32
    %add3A_189 = arith.addi %mul3A_2, %add3A_188 : i32
    %dma_start3A_190 = tpu.memref_slice %arg3[%add3A_189] : memref<322560xi32, #tpu.memory_space<hbm>> -> memref<80xi32, #tpu.memory_space<hbm>>
    %dma_start3A_191 = tpu.memref_slice %arg3[%add3A_189] : memref<322560xi32, #tpu.memory_space<hbm>> -> memref<80xi32, #tpu.memory_space<hbm>>
    tpu.enqueue_dma source(%dma_start3A_191 : memref<80xi32, #tpu.memory_space<hbm>>) target(%arg7 : memref<80xi32, #tpu.memory_space<vmem>>) target_semaphore(%arg22 : memref<!tpu.dma_semaphore, #tpu.memory_space<semaphore_mem>>)
    %add3A_192 = arith.constant 9920 : i32
    %add3A_193 = arith.addi %mul3A_2, %add3A_192 : i32
    %dma_start3A_194 = tpu.memref_slice %arg4[%add3A_193] : memref<322560xi32, #tpu.memory_space<hbm>> -> memref<80xi32, #tpu.memory_space<hbm>>
    %dma_start3A_195 = tpu.memref_slice %arg4[%add3A_193] : memref<322560xi32, #tpu.memory_space<hbm>> -> memref<80xi32, #tpu.memory_space<hbm>>
    tpu.enqueue_dma source(%dma_start3A_195 : memref<80xi32, #tpu.memory_space<hbm>>) target(%arg11 : memref<80xi32, #tpu.memory_space<vmem>>) target_semaphore(%arg22 : memref<!tpu.dma_semaphore, #tpu.memory_space<semaphore_mem>>)
    %add3A_196 = arith.constant 9760 : i32
    %add3A_197 = arith.addi %mul3A_2, %add3A_196 : i32
    %dma_wait3A_198 = tpu.memref_slice %arg3[%add3A_197] : memref<322560xi32, #tpu.memory_space<hbm>> -> memref<80xi32, #tpu.memory_space<hbm>>
    %dma_wait3A_199 = tpu.memref_slice %arg3[%add3A_197] : memref<322560xi32, #tpu.memory_space<hbm>> -> memref<80xi32, #tpu.memory_space<hbm>>
    tpu.wait_dma2 semaphore(%arg24 : memref<!tpu.dma_semaphore, #tpu.memory_space<semaphore_mem>>) src(%dma_wait3A_199 : memref<80xi32, #tpu.memory_space<hbm>>) dst(%arg9 : memref<80xi32, #tpu.memory_space<vmem>>)
    %add3A_200 = arith.constant 9760 : i32
    %add3A_201 = arith.addi %mul3A_2, %add3A_200 : i32
    %dma_wait3A_202 = tpu.memref_slice %arg4[%add3A_201] : memref<322560xi32, #tpu.memory_space<hbm>> -> memref<80xi32, #tpu.memory_space<hbm>>
    %dma_wait3A_203 = tpu.memref_slice %arg4[%add3A_201] : memref<322560xi32, #tpu.memory_space<hbm>> -> memref<80xi32, #tpu.memory_space<hbm>>
    tpu.wait_dma2 semaphore(%arg24 : memref<!tpu.dma_semaphore, #tpu.memory_space<semaphore_mem>>) src(%dma_wait3A_203 : memref<80xi32, #tpu.memory_space<hbm>>) dst(%arg13 : memref<80xi32, #tpu.memory_space<vmem>>)
    %dma_start3A_204 = arith.constant 0 : i32
    %dma_start3A_205 = arith.constant 0 : i32
    %dma_start3A_206 = tpu.memref_slice %arg2[%dma_start3A_204, %dma_start3A_205] : memref<10000x128xf32, #tpu.memory_space<hbm>> -> memref<10000x128xf32, #tpu.memory_space<hbm>>
    tpu.enqueue_indirect_dma source(%dma_start3A_206 : memref<10000x128xf32, #tpu.memory_space<hbm>>) target(%arg15 : memref<80x128xf32, #tpu.memory_space<vmem>>) offsets(%arg9 : memref<80xi32, #tpu.memory_space<vmem>>) semaphore(%arg18 : memref<!tpu.dma_semaphore, #tpu.memory_space<semaphore_mem>>)
    %dma_wait3A_207 = arith.constant 0 : i32
    %dma_wait3A_208 = arith.constant 0 : i32
    %dma_wait3A_209 = tpu.memref_slice %arg2[%dma_wait3A_207, %dma_wait3A_208] : memref<10000x128xf32, #tpu.memory_space<hbm>> -> memref<10000x128xf32, #tpu.memory_space<hbm>>
    tpu.wait_indirect_dma semaphore(%arg18 : memref<!tpu.dma_semaphore, #tpu.memory_space<semaphore_mem>>) src(%dma_wait3A_209 : memref<10000x128xf32, #tpu.memory_space<hbm>>) dst(%arg15 : memref<80x128xf32, #tpu.memory_space<vmem>>)
    %dma_start3A_210 = arith.constant 0 : i32
    %dma_start3A_211 = arith.constant 0 : i32
    %dma_start3A_212 = tpu.memref_slice %arg17[%dma_start3A_210, %dma_start3A_211] : memref<10112x128xf32, #tpu.memory_space<vmem_shared>> -> memref<10112x128xf32, #tpu.memory_space<vmem_shared>>
    tpu.enqueue_indirect_dma source(%arg15 : memref<80x128xf32, #tpu.memory_space<vmem>>) target(%dma_start3A_212 : memref<10112x128xf32, #tpu.memory_space<vmem_shared>>) offsets(%arg13 : memref<80xi32, #tpu.memory_space<vmem>>) semaphore(%arg20 : memref<!tpu.dma_semaphore, #tpu.memory_space<semaphore_mem>>) {add = true}
    %dma_wait3A_213 = arith.constant 0 : i32
    %dma_wait3A_214 = arith.constant 0 : i32
    %dma_wait3A_215 = tpu.memref_slice %arg17[%dma_wait3A_213, %dma_wait3A_214] : memref<10112x128xf32, #tpu.memory_space<vmem_shared>> -> memref<10112x128xf32, #tpu.memory_space<vmem_shared>>
    tpu.wait_indirect_dma semaphore(%arg21 : memref<!tpu.dma_semaphore, #tpu.memory_space<semaphore_mem>>) src(%arg16 : memref<80x128xf32, #tpu.memory_space<vmem>>) dst(%dma_wait3A_215 : memref<10112x128xf32, #tpu.memory_space<vmem_shared>>)
    %add3A_216 = arith.constant 10000 : i32
    %add3A_217 = arith.addi %mul3A_2, %add3A_216 : i32
    %dma_start3A_218 = tpu.memref_slice %arg3[%add3A_217] : memref<322560xi32, #tpu.memory_space<hbm>> -> memref<80xi32, #tpu.memory_space<hbm>>
    %dma_start3A_219 = tpu.memref_slice %arg3[%add3A_217] : memref<322560xi32, #tpu.memory_space<hbm>> -> memref<80xi32, #tpu.memory_space<hbm>>
    tpu.enqueue_dma source(%dma_start3A_219 : memref<80xi32, #tpu.memory_space<hbm>>) target(%arg8 : memref<80xi32, #tpu.memory_space<vmem>>) target_semaphore(%arg23 : memref<!tpu.dma_semaphore, #tpu.memory_space<semaphore_mem>>)
    %add3A_220 = arith.constant 10000 : i32
    %add3A_221 = arith.addi %mul3A_2, %add3A_220 : i32
    %dma_start3A_222 = tpu.memref_slice %arg4[%add3A_221] : memref<322560xi32, #tpu.memory_space<hbm>> -> memref<80xi32, #tpu.memory_space<hbm>>
    %dma_start3A_223 = tpu.memref_slice %arg4[%add3A_221] : memref<322560xi32, #tpu.memory_space<hbm>> -> memref<80xi32, #tpu.memory_space<hbm>>
    tpu.enqueue_dma source(%dma_start3A_223 : memref<80xi32, #tpu.memory_space<hbm>>) target(%arg12 : memref<80xi32, #tpu.memory_space<vmem>>) target_semaphore(%arg23 : memref<!tpu.dma_semaphore, #tpu.memory_space<semaphore_mem>>)
    %add3A_224 = arith.constant 9840 : i32
    %add3A_225 = arith.addi %mul3A_2, %add3A_224 : i32
    %dma_wait3A_226 = tpu.memref_slice %arg3[%add3A_225] : memref<322560xi32, #tpu.memory_space<hbm>> -> memref<80xi32, #tpu.memory_space<hbm>>
    %dma_wait3A_227 = tpu.memref_slice %arg3[%add3A_225] : memref<322560xi32, #tpu.memory_space<hbm>> -> memref<80xi32, #tpu.memory_space<hbm>>
    tpu.wait_dma2 semaphore(%arg25 : memref<!tpu.dma_semaphore, #tpu.memory_space<semaphore_mem>>) src(%dma_wait3A_227 : memref<80xi32, #tpu.memory_space<hbm>>) dst(%arg10 : memref<80xi32, #tpu.memory_space<vmem>>)
    %add3A_228 = arith.constant 9840 : i32
    %add3A_229 = arith.addi %mul3A_2, %add3A_228 : i32
    %dma_wait3A_230 = tpu.memref_slice %arg4[%add3A_229] : memref<322560xi32, #tpu.memory_space<hbm>> -> memref<80xi32, #tpu.memory_space<hbm>>
    %dma_wait3A_231 = tpu.memref_slice %arg4[%add3A_229] : memref<322560xi32, #tpu.memory_space<hbm>> -> memref<80xi32, #tpu.memory_space<hbm>>
    tpu.wait_dma2 semaphore(%arg25 : memref<!tpu.dma_semaphore, #tpu.memory_space<semaphore_mem>>) src(%dma_wait3A_231 : memref<80xi32, #tpu.memory_space<hbm>>) dst(%arg14 : memref<80xi32, #tpu.memory_space<vmem>>)
    %dma_start3A_232 = arith.constant 0 : i32
    %dma_start3A_233 = arith.constant 0 : i32
    %dma_start3A_234 = tpu.memref_slice %arg2[%dma_start3A_232, %dma_start3A_233] : memref<10000x128xf32, #tpu.memory_space<hbm>> -> memref<10000x128xf32, #tpu.memory_space<hbm>>
    tpu.enqueue_indirect_dma source(%dma_start3A_234 : memref<10000x128xf32, #tpu.memory_space<hbm>>) target(%arg16 : memref<80x128xf32, #tpu.memory_space<vmem>>) offsets(%arg10 : memref<80xi32, #tpu.memory_space<vmem>>) semaphore(%arg19 : memref<!tpu.dma_semaphore, #tpu.memory_space<semaphore_mem>>)
    %dma_wait3A_235 = arith.constant 0 : i32
    %dma_wait3A_236 = arith.constant 0 : i32
    %dma_wait3A_237 = tpu.memref_slice %arg2[%dma_wait3A_235, %dma_wait3A_236] : memref<10000x128xf32, #tpu.memory_space<hbm>> -> memref<10000x128xf32, #tpu.memory_space<hbm>>
    tpu.wait_indirect_dma semaphore(%arg19 : memref<!tpu.dma_semaphore, #tpu.memory_space<semaphore_mem>>) src(%dma_wait3A_237 : memref<10000x128xf32, #tpu.memory_space<hbm>>) dst(%arg16 : memref<80x128xf32, #tpu.memory_space<vmem>>)
    %dma_start3A_238 = arith.constant 0 : i32
    %dma_start3A_239 = arith.constant 0 : i32
    %dma_start3A_240 = tpu.memref_slice %arg17[%dma_start3A_238, %dma_start3A_239] : memref<10112x128xf32, #tpu.memory_space<vmem_shared>> -> memref<10112x128xf32, #tpu.memory_space<vmem_shared>>
    tpu.enqueue_indirect_dma source(%arg16 : memref<80x128xf32, #tpu.memory_space<vmem>>) target(%dma_start3A_240 : memref<10112x128xf32, #tpu.memory_space<vmem_shared>>) offsets(%arg14 : memref<80xi32, #tpu.memory_space<vmem>>) semaphore(%arg21 : memref<!tpu.dma_semaphore, #tpu.memory_space<semaphore_mem>>) {add = true}
    %dma_wait3A_241 = arith.constant 0 : i32
    %dma_wait3A_242 = arith.constant 0 : i32
    %dma_wait3A_243 = tpu.memref_slice %arg17[%dma_wait3A_241, %dma_wait3A_242] : memref<10112x128xf32, #tpu.memory_space<vmem_shared>> -> memref<10112x128xf32, #tpu.memory_space<vmem_shared>>
    tpu.wait_indirect_dma semaphore(%arg20 : memref<!tpu.dma_semaphore, #tpu.memory_space<semaphore_mem>>) src(%arg15 : memref<80x128xf32, #tpu.memory_space<vmem>>) dst(%dma_wait3A_243 : memref<10112x128xf32, #tpu.memory_space<vmem_shared>>)
    %add3A_244 = arith.constant 9920 : i32
    %add3A_245 = arith.addi %mul3A_2, %add3A_244 : i32
    %dma_wait3A_246 = tpu.memref_slice %arg3[%add3A_245] : memref<322560xi32, #tpu.memory_space<hbm>> -> memref<80xi32, #tpu.memory_space<hbm>>
    %dma_wait3A_247 = tpu.memref_slice %arg3[%add3A_245] : memref<322560xi32, #tpu.memory_space<hbm>> -> memref<80xi32, #tpu.memory_space<hbm>>
    tpu.wait_dma2 semaphore(%arg22 : memref<!tpu.dma_semaphore, #tpu.memory_space<semaphore_mem>>) src(%dma_wait3A_247 : memref<80xi32, #tpu.memory_space<hbm>>) dst(%arg7 : memref<80xi32, #tpu.memory_space<vmem>>)
    %add3A_248 = arith.constant 9920 : i32
    %add3A_249 = arith.addi %mul3A_2, %add3A_248 : i32
    %dma_wait3A_250 = tpu.memref_slice %arg4[%add3A_249] : memref<322560xi32, #tpu.memory_space<hbm>> -> memref<80xi32, #tpu.memory_space<hbm>>
    %dma_wait3A_251 = tpu.memref_slice %arg4[%add3A_249] : memref<322560xi32, #tpu.memory_space<hbm>> -> memref<80xi32, #tpu.memory_space<hbm>>
    tpu.wait_dma2 semaphore(%arg22 : memref<!tpu.dma_semaphore, #tpu.memory_space<semaphore_mem>>) src(%dma_wait3A_251 : memref<80xi32, #tpu.memory_space<hbm>>) dst(%arg11 : memref<80xi32, #tpu.memory_space<vmem>>)
    %dma_start3A_252 = arith.constant 0 : i32
    %dma_start3A_253 = arith.constant 0 : i32
    %dma_start3A_254 = tpu.memref_slice %arg2[%dma_start3A_252, %dma_start3A_253] : memref<10000x128xf32, #tpu.memory_space<hbm>> -> memref<10000x128xf32, #tpu.memory_space<hbm>>
    tpu.enqueue_indirect_dma source(%dma_start3A_254 : memref<10000x128xf32, #tpu.memory_space<hbm>>) target(%arg15 : memref<80x128xf32, #tpu.memory_space<vmem>>) offsets(%arg7 : memref<80xi32, #tpu.memory_space<vmem>>) semaphore(%arg18 : memref<!tpu.dma_semaphore, #tpu.memory_space<semaphore_mem>>)
    %dma_wait3A_255 = arith.constant 0 : i32
    %dma_wait3A_256 = arith.constant 0 : i32
    %dma_wait3A_257 = tpu.memref_slice %arg2[%dma_wait3A_255, %dma_wait3A_256] : memref<10000x128xf32, #tpu.memory_space<hbm>> -> memref<10000x128xf32, #tpu.memory_space<hbm>>
    tpu.wait_indirect_dma semaphore(%arg18 : memref<!tpu.dma_semaphore, #tpu.memory_space<semaphore_mem>>) src(%dma_wait3A_257 : memref<10000x128xf32, #tpu.memory_space<hbm>>) dst(%arg15 : memref<80x128xf32, #tpu.memory_space<vmem>>)
    %dma_start3A_258 = arith.constant 0 : i32
    %dma_start3A_259 = arith.constant 0 : i32
    %dma_start3A_260 = tpu.memref_slice %arg17[%dma_start3A_258, %dma_start3A_259] : memref<10112x128xf32, #tpu.memory_space<vmem_shared>> -> memref<10112x128xf32, #tpu.memory_space<vmem_shared>>
    tpu.enqueue_indirect_dma source(%arg15 : memref<80x128xf32, #tpu.memory_space<vmem>>) target(%dma_start3A_260 : memref<10112x128xf32, #tpu.memory_space<vmem_shared>>) offsets(%arg11 : memref<80xi32, #tpu.memory_space<vmem>>) semaphore(%arg20 : memref<!tpu.dma_semaphore, #tpu.memory_space<semaphore_mem>>) {add = true}
    %dma_wait3A_261 = arith.constant 0 : i32
    %dma_wait3A_262 = arith.constant 0 : i32
    %dma_wait3A_263 = tpu.memref_slice %arg17[%dma_wait3A_261, %dma_wait3A_262] : memref<10112x128xf32, #tpu.memory_space<vmem_shared>> -> memref<10112x128xf32, #tpu.memory_space<vmem_shared>>
    tpu.wait_indirect_dma semaphore(%arg21 : memref<!tpu.dma_semaphore, #tpu.memory_space<semaphore_mem>>) src(%arg16 : memref<80x128xf32, #tpu.memory_space<vmem>>) dst(%dma_wait3A_263 : memref<10112x128xf32, #tpu.memory_space<vmem_shared>>)
    %add3A_264 = arith.constant 10000 : i32
    %add3A_265 = arith.addi %mul3A_2, %add3A_264 : i32
    %dma_wait3A_266 = tpu.memref_slice %arg3[%add3A_265] : memref<322560xi32, #tpu.memory_space<hbm>> -> memref<80xi32, #tpu.memory_space<hbm>>
    %dma_wait3A_267 = tpu.memref_slice %arg3[%add3A_265] : memref<322560xi32, #tpu.memory_space<hbm>> -> memref<80xi32, #tpu.memory_space<hbm>>
    tpu.wait_dma2 semaphore(%arg23 : memref<!tpu.dma_semaphore, #tpu.memory_space<semaphore_mem>>) src(%dma_wait3A_267 : memref<80xi32, #tpu.memory_space<hbm>>) dst(%arg8 : memref<80xi32, #tpu.memory_space<vmem>>)
    %add3A_268 = arith.constant 10000 : i32
    %add3A_269 = arith.addi %mul3A_2, %add3A_268 : i32
    %dma_wait3A_270 = tpu.memref_slice %arg4[%add3A_269] : memref<322560xi32, #tpu.memory_space<hbm>> -> memref<80xi32, #tpu.memory_space<hbm>>
    %dma_wait3A_271 = tpu.memref_slice %arg4[%add3A_269] : memref<322560xi32, #tpu.memory_space<hbm>> -> memref<80xi32, #tpu.memory_space<hbm>>
    tpu.wait_dma2 semaphore(%arg23 : memref<!tpu.dma_semaphore, #tpu.memory_space<semaphore_mem>>) src(%dma_wait3A_271 : memref<80xi32, #tpu.memory_space<hbm>>) dst(%arg12 : memref<80xi32, #tpu.memory_space<vmem>>)
    %dma_start3A_272 = arith.constant 0 : i32
    %dma_start3A_273 = arith.constant 0 : i32
    %dma_start3A_274 = tpu.memref_slice %arg2[%dma_start3A_272, %dma_start3A_273] : memref<10000x128xf32, #tpu.memory_space<hbm>> -> memref<10000x128xf32, #tpu.memory_space<hbm>>
    tpu.enqueue_indirect_dma source(%dma_start3A_274 : memref<10000x128xf32, #tpu.memory_space<hbm>>) target(%arg16 : memref<80x128xf32, #tpu.memory_space<vmem>>) offsets(%arg8 : memref<80xi32, #tpu.memory_space<vmem>>) semaphore(%arg19 : memref<!tpu.dma_semaphore, #tpu.memory_space<semaphore_mem>>)
    %dma_wait3A_275 = arith.constant 0 : i32
    %dma_wait3A_276 = arith.constant 0 : i32
    %dma_wait3A_277 = tpu.memref_slice %arg2[%dma_wait3A_275, %dma_wait3A_276] : memref<10000x128xf32, #tpu.memory_space<hbm>> -> memref<10000x128xf32, #tpu.memory_space<hbm>>
    tpu.wait_indirect_dma semaphore(%arg19 : memref<!tpu.dma_semaphore, #tpu.memory_space<semaphore_mem>>) src(%dma_wait3A_277 : memref<10000x128xf32, #tpu.memory_space<hbm>>) dst(%arg16 : memref<80x128xf32, #tpu.memory_space<vmem>>)
    %dma_start3A_278 = arith.constant 0 : i32
    %dma_start3A_279 = arith.constant 0 : i32
    %dma_start3A_280 = tpu.memref_slice %arg17[%dma_start3A_278, %dma_start3A_279] : memref<10112x128xf32, #tpu.memory_space<vmem_shared>> -> memref<10112x128xf32, #tpu.memory_space<vmem_shared>>
    tpu.enqueue_indirect_dma source(%arg16 : memref<80x128xf32, #tpu.memory_space<vmem>>) target(%dma_start3A_280 : memref<10112x128xf32, #tpu.memory_space<vmem_shared>>) offsets(%arg12 : memref<80xi32, #tpu.memory_space<vmem>>) semaphore(%arg21 : memref<!tpu.dma_semaphore, #tpu.memory_space<semaphore_mem>>) {add = true}
    %dma_wait3A_281 = arith.constant 0 : i32
    %dma_wait3A_282 = arith.constant 0 : i32
    %dma_wait3A_283 = tpu.memref_slice %arg17[%dma_wait3A_281, %dma_wait3A_282] : memref<10112x128xf32, #tpu.memory_space<vmem_shared>> -> memref<10112x128xf32, #tpu.memory_space<vmem_shared>>
    tpu.wait_indirect_dma semaphore(%arg20 : memref<!tpu.dma_semaphore, #tpu.memory_space<semaphore_mem>>) src(%arg15 : memref<80x128xf32, #tpu.memory_space<vmem>>) dst(%dma_wait3A_283 : memref<10112x128xf32, #tpu.memory_space<vmem_shared>>)
    %dma_wait3A_284 = arith.constant 0 : i32
    %dma_wait3A_285 = arith.constant 0 : i32
    %dma_wait3A_286 = tpu.memref_slice %arg17[%dma_wait3A_284, %dma_wait3A_285] : memref<10112x128xf32, #tpu.memory_space<vmem_shared>> -> memref<10112x128xf32, #tpu.memory_space<vmem_shared>>
    tpu.wait_indirect_dma semaphore(%arg21 : memref<!tpu.dma_semaphore, #tpu.memory_space<semaphore_mem>>) src(%arg16 : memref<80x128xf32, #tpu.memory_space<vmem>>) dst(%dma_wait3A_286 : memref<10112x128xf32, #tpu.memory_space<vmem_shared>>)
    %barrier3A_287 = arith.constant 0 : index
    tpu.barrier barrier_id(%barrier3A_287)
    %mul3A_288 = arith.constant 632 : i32
    %mul3A_289 = arith.muli %arg1, %mul3A_288 : i32
    "tpu.region"() ({
      %run_scoped3A = tpu.sem_alloc : memref<!tpu.dma_semaphore, #tpu.memory_space<semaphore_mem>>
      %dma_start3A_290 = arith.constant 0 : i32
      %dma_start3A_291 = tpu.memref_slice %arg6[%arg0, %mul3A_289, %dma_start3A_290] : memref<2x10112x128xf32, #tpu.memory_space<hbm>> -> memref<1x632x128xf32, #tpu.memory_space<hbm>>
      %dma_start3A_292 = tpu.memref_squeeze %dma_start3A_291 : memref<1x632x128xf32, #tpu.memory_space<hbm>> -> memref<632x128xf32, #tpu.memory_space<hbm>>
      %dma_start3A_293 = arith.constant 0 : i32
      %dma_start3A_294 = tpu.memref_slice %arg17[%mul3A_289, %dma_start3A_293] : memref<10112x128xf32, #tpu.memory_space<vmem_shared>> -> memref<632x128xf32, #tpu.memory_space<vmem_shared>>
      tpu.enqueue_dma source(%dma_start3A_294 : memref<632x128xf32, #tpu.memory_space<vmem_shared>>) target(%dma_start3A_292 : memref<632x128xf32, #tpu.memory_space<hbm>>) target_semaphore(%run_scoped3A : memref<!tpu.dma_semaphore, #tpu.memory_space<semaphore_mem>>)
      %dma_wait3A_295 = arith.constant 0 : i32
      %dma_wait3A_296 = tpu.memref_slice %arg6[%arg0, %mul3A_289, %dma_wait3A_295] : memref<2x10112x128xf32, #tpu.memory_space<hbm>> -> memref<1x632x128xf32, #tpu.memory_space<hbm>>
      %dma_wait3A_297 = tpu.memref_squeeze %dma_wait3A_296 : memref<1x632x128xf32, #tpu.memory_space<hbm>> -> memref<632x128xf32, #tpu.memory_space<hbm>>
      %dma_wait3A_298 = arith.constant 0 : i32
      %dma_wait3A_299 = tpu.memref_slice %arg17[%mul3A_289, %dma_wait3A_298] : memref<10112x128xf32, #tpu.memory_space<vmem_shared>> -> memref<632x128xf32, #tpu.memory_space<vmem_shared>>
      tpu.wait_dma2 semaphore(%run_scoped3A : memref<!tpu.dma_semaphore, #tpu.memory_space<semaphore_mem>>) src(%dma_wait3A_299 : memref<632x128xf32, #tpu.memory_space<vmem_shared>>) dst(%dma_wait3A_297 : memref<632x128xf32, #tpu.memory_space<hbm>>)
      tpu.yield
    }) : () -> ()
    return
  }
}

</mosaic_0001>

<sc_bundles>
// kernel: _sc_agg.3.cloned.1.call-start
scs
__scs_entry_jumppad:
0x0: {  	(pc) =	sbr.rel $0x88, $3  }
0x1: {  	(tag) =	ssettag $0x0;
	lr =	simm.s32 $0x1  }
0x2: {  	[smem:$0x3F9D] =	sst lr;
	_ =	strace $0xD0000000  }
0x3: {  	_ = 	snop  }
0x4: {  	_ = 	snop  }
0x5: {  	_ = 	snop  }
0x6: {  	_ = 	snop  }
0x7: {  	_ = 	snop  }
__scs_overlays_trampoline_lowered:
0x8: {  	[smem:$0x3FAC] =	sst s0  }
0x9: {  	[smem:$0x3FAD] =	sst s1  }
0xa: {  	[smem:$0x3FAE] =	sst s2  }
0xb: {  	[smem:$0x3FAF] =	sst s3  }
0xc: {  	[smem:$0x3FB0] =	sst s4  }
0xd: {  	[smem:$0x3FB1] =	sst s5  }
0xe: {  	[smem:$0x3FB2] =	sst s6  }
0xf: {  	[smem:$0x3FB3] =	sst s7  }
0x10: {  	[smem:$0x3FB4] =	sst s8  }
0x11: {  	[smem:$0x3FB5] =	sst s9;
	s0 =	simm.s32 @!p0 $0x0  }
0x12: {  	s1 =	sld [smem:$0x3F9B];
	s0 =	simm.s32 @p0 $0x1  }
0x13: {  	[smem:$0x3FB6] =	sst s0;
	s0 =	simm.s32 @!p1 $0x0  }
0x14: {  	s2 =	sld [smem:$0x3F9A];
	s0 =	simm.s32 @p1 $0x1  }
0x15: {  	[smem:$0x3FB7] =	sst s0;
	s0 =	simm.s32 @!p2 $0x0  }
0x16: {  	s3 =	sld [smem:$0x3FDB];
	s0 =	simm.s32 @p2 $0x1  }
0x17: {  	s4 =	simm.s32 $0x1BF5;
	[smem:$0x3FB9] =	sst s0  }
0x18: {  	s0 =	sld [smem:$0x3F9C];
	_ =	swait.ge [sflag:s4], $0x0  }
0x19: {  	s7 =	sld [smem:$0x3F9D]  }
0x1a: {  	s8 =	sadd.s32 $0xFFFFE003, lr  }
0x1b: {  	s9 =	sadd.s32 $0xFFFFFEF7, lr;
	s5 =	simm.s32 $0xFFFFFFFF;
	p2 =	slt.u32 s8, $0xFFFFF086  }
0x1c: {  	p1 =	slt.u32 s9, $0xF7A;
	s5 =	simm.s32 @!p2 $0x0  }
0x1d: {  	s5 =	simm.s32 @p1 $0x1;
	p0 =	seq.s32 s7, s2  }
0x1e: {  	s7 =	smul.u32 @!p0 $0xF7A, s2;
	p2 =	seq.s32 @!p0 s5, $0x0  }
0x1f: {  	s9 =	smul.u32 $0xF7A, s1;
	s8 =	simm.s32 @!p0 $0x1BF5;
	p2 =	por !p2, p0  }
0x20: {  	[sflag:s8] =	ssyncset.s32 @!p0 $0xFFFFF086;
	s6 =	sadd.s32 @!p0 s3, s7;
	s7 =	simm.s32 @!p0 $0x108  }
0x21: {  	s3 =	sadd.s32 s3, s9;
	s6 =	sadd.s32 @!p0 $0x88, s6;
	s7 =	simm.s32 @p2 $0x1082  }
0x22: {  	[simem:s7], [sflag:s8] =	dma.local @!p0 [hbm:s6], $0xF7A  }
0x23: {  	s9 =	sor.u32 $0xD0000000, s2;
	s6 =	simm.s32 $0x108;
	_ =	swait.ge @!p0 [sflag:s8], $0x0  }
0x24: {  	s3 =	sadd.s32 $0x88, s3;
	s6 =	simm.s32 @!p1 $0x1082;
	[sflag:s4] =	ssyncset.s32 $0xFFFFF086  }
0x25: {  	[simem:s6], [sflag:s4] =	dma.local [hbm:s3], $0xF7A  }
0x26: {  	[smem:$0x3F9D] =	sst s1;
	(tag) =	ssettag s2;
	_ =	strace s9  }
0x27: {  	s1 =	sld [smem:$0x3FAD]  }
0x28: {  	s2 =	sld [smem:$0x3FAE]  }
0x29: {  	s4 =	sld [smem:$0x3FB0]  }
0x2a: {  	p0 =	seq.s32 s5, $0x0;
	s5 =	sld [smem:$0x3FB1]  }
0x2b: {  	s6 =	sld [smem:$0x3FB2]  }
0x2c: {  	s7 =	sld [smem:$0x3FB3]  }
0x2d: {  	s3 =	simm.s32 $0x108;
	s8 =	sld [smem:$0x3FB4]  }
0x2e: {  	s3 =	simm.s32 @!p0 $0x1082;
	s9 =	sld [smem:$0x3FB5]  }
0x2f: {  	lr =	sadd.s32 s0, s3;
	s0 =	sld [smem:$0x3FAC]  }
0x30: {  	s3 =	sld [smem:$0x3FAF]  }
0x31: {  	[smem:$0x3FB8] =	sst s10  }
0x32: {  	s10 =	sld [smem:$0x3FB6];
	_ =	sdelay $0x3  }
0x33: {  	p0 =	seq.s32 s10, $0x1;
	s10 =	sld [smem:$0x3FB8];
	_ =	sdelay $0x3  }
0x34: {  	[smem:$0x3FB8] =	sst s10  }
0x35: {  	s10 =	sld [smem:$0x3FB7];
	_ =	sdelay $0x3  }
0x36: {  	p1 =	seq.s32 s10, $0x1;
	s10 =	sld [smem:$0x3FB8];
	_ =	sdelay $0x3  }
0x37: {  	[smem:$0x3FB8] =	sst s10  }
0x38: {  	s10 =	sld [smem:$0x3FB9]  }
0x39: {  	_ = 	snop;
	(pc) =	sbr.ind lr, $3  }
0x3a: {  	_ = 	snop  }
0x3b: {  	_ = 	snop  }
0x3c: {  	p2 =	seq.s32 s10, $0x1;
	s10 =	sld [smem:$0x3FB8]  }
0x3d: {  	_ =	shalt  }
0x3e: {  	_ =	shalt  }
0x3f: {  	_ =	shalt  }
0x40: {  	_ =	shalt  }
0x41: {  	_ =	shalt  }
0x42: {  	_ =	shalt  }
0x43: {  	_ =	shalt  }
0x44: {  	_ =	shalt  }
0x45: {  	_ =	shalt  }
0x46: {  	_ =	shalt  }
0x47: {  	_ =	shalt  }
0x48: {  	_ =	shalt  }
0x49: {  	_ =	shalt  }
0x4a: {  	_ =	shalt  }
0x4b: {  	_ =	shalt  }
0x4c: {  	_ =	shalt  }
0x4d: {  	_ =	shalt  }
0x4e: {  	_ =	shalt  }
0x4f: {  	_ =	shalt  }
0x50: {  	_ =	shalt  }
0x51: {  	_ =	shalt  }
0x52: {  	_ =	shalt  }
0x53: {  	_ =	shalt  }
0x54: {  	_ =	shalt  }
0x55: {  	_ =	shalt  }
0x56: {  	_ =	shalt  }
0x57: {  	_ =	shalt  }
0x58: {  	_ =	shalt  }
0x59: {  	_ =	shalt  }
0x5a: {  	_ =	shalt  }
0x5b: {  	_ =	shalt  }
0x5c: {  	_ =	shalt  }
0x5d: {  	_ =	shalt  }
0x5e: {  	_ =	shalt  }
0x5f: {  	_ =	shalt  }
0x60: {  	_ =	shalt  }
0x61: {  	_ =	shalt  }
0x62: {  	_ =	shalt  }
0x63: {  	_ =	shalt  }
0x64: {  	_ =	shalt  }
0x65: {  	_ =	shalt  }
0x66: {  	_ =	shalt  }
0x67: {  	_ =	shalt  }
0x68: {  	_ =	shalt  }
0x69: {  	_ =	shalt  }
0x6a: {  	_ =	shalt  }
0x6b: {  	_ =	shalt  }
0x6c: {  	_ =	shalt  }
0x6d: {  	_ =	shalt  }
0x6e: {  	_ =	shalt  }
0x6f: {  	_ =	shalt  }
0x70: {  	_ =	shalt  }
0x71: {  	_ =	shalt  }
0x72: {  	_ =	shalt  }
0x73: {  	_ =	shalt  }
0x74: {  	_ =	shalt  }
0x75: {  	_ =	shalt  }
0x76: {  	_ =	shalt  }
0x77: {  	_ =	shalt  }
0x78: {  	_ =	shalt  }
0x79: {  	_ =	shalt  }
0x7a: {  	_ =	shalt  }
0x7b: {  	_ =	shalt  }
0x7c: {  	_ =	shalt  }
0x7d: {  	_ =	shalt  }
0x7e: {  	_ =	shalt  }
0x7f: {  	_ =	shalt  }
0x80: {  	_ =	shalt  }
0x81: {  	_ =	shalt  }
0x82: {  	_ =	shalt  }
0x83: {  	_ =	shalt  }
0x84: {  	_ =	shalt  }
0x85: {  	_ =	shalt  }
0x86: {  	_ =	shalt  }
0x87: {  	_ =	shalt  }
.Lfunc_end0:
.L_simem_size_0:
called_computation_lowered:
.L_overlay_start_0:
0x88: {  	s2 =	sld [smem:$0x3FD9]  }
0x89: {  	s3 =	sld [smem:$0x3FFE];
	_ =	sdelay $0x1  }
0x8a: {  	s1 =	srdreg.scid  }
0x8b: {  	s0 =	sand.u32 $0x1, s1  }
0x8c: {  	s18 =	sshll.u32 s0, $0xA;
	s2 =	sadd.s32 s3, s2  }
0x8d: {  	s2 =	sadd.s32 s2, s18  }
0x8e: {  	[smem:$0x3FC4] =	sst s2  }
0x8f: {  	_ = 	snop  }
0x90: {  	s2 =	sld [smem:$0x3FC9]  }
0x91: {  	s19 =	sld [smem:$0x3FC8]  }
0x92: {  	s4 =	sld [smem:$0x3FC7]  }
0x93: {  	s5 =	sld [smem:$0x3FC6]  }
0x94: {  	s6 =	sld [smem:$0x3FD0];
	(tm) =	ssettm $0x1  }
0x95: {  	s7 =	sld [smem:$0x3FFB];
	_ =	sdelay $0x3  }
0x96: {  	_ =	strace s7  }
0x97: {  	s7 =	sld [smem:$0x3FFC];
	_ =	sdelay $0x3  }
0x98: {  	_ =	strace s7  }
0x99: {  	s7 =	sld [smem:$0x3FFD];
	_ =	sdelay $0x3  }
0x9a: {  	_ =	strace s7  }
0x9b: {  	_ =	strace $0x8FFFFFFF  }
0x9c: {  	s20 =	sld [smem:$0x3FDB];
	_ =	sdelay $0x1  }
0x9d: {  	s8 =	simm.s32 $_scs_section_size  }
0x9e: {  	s9 =	simm.s32 $_size__tile_overlayer_lowered;
	s10 =	simm.s32 $_tile_overlayer_lowered  }
0x9f: {  	s23 =	simm.s32 $0x1BFF;
	s22 =	sshll.u32 s10, $0x1;
	s7 =	sadd.s32 s8, s20  }
0xa0: {  	s11 =	simm.s32 $0x0;
	s21 =	sshll.u32 s9, $0x1;
	s9 =	sadd.s32 s22, s7  }
0xa1: {  	[timem:s11], [sflag:s23] =	dma.local [hbm:s9], s21  }
0xa2: {  	_ =	swait.ge [sflag:s23], s21  }
0xa3: {  	s8 =	ssub.s32 $0x0, s21;
	[sflag:s23] =	ssyncset.done $0x0  }
0xa4: {  	[sflag:s23] =	ssyncadd.s32 s8;
	_ =	sdelay $0x1  }
0xa5: {  	s24 =	simm.s32 $0x1B8B  }
0xa6: {  	_ =	swait.ge [sflag:s24], $0x1  }
0xa7: {  	[sflag:s24] =	ssyncset.done $0x0  }
0xa8: {  	s25 =	simm.s32 $0x1B8E;
	[sflag:s24] =	ssyncadd.s32 $0xFFFFFFFF  }
0xa9: {  	s26 =	simm.s32 $execute0_lowered;
	[smem:$0x3FD2] =	sst s25  }
0xaa: {  	s8 =	sshll.u32 s26, $0x1;
	_ =	strace $0x80000046;
	[dreg:$0x1] =	wrdreg $0xFFFFFFFF  }
0xab: {  	s28 =	simm.s32 $_size_execute0_lowered;
	s7 =	sadd.s32 s7, s8;
	[dreg:$0x0] =	wrdreg $0x0  }
0xac: {  	s8 =	sshll.u32 s28, $0x1;
	[dreg:$0x2] =	wrdreg s7  }
0xad: {  	[dreg:$0x3] =	wrdreg s8  }
0xae: {  	[dreg:$0x4] =	wrdreg $0xC0  }
0xaf: {  	_ =	task [dreg:s11], $0x5FFFF  }
0xb0: {  	[dreg:$0x1] =	wrdreg $0xFFFFFFFF  }
0xb1: {  	[dreg:$0x0] =	wrdreg $0x60  }
0xb2: {  	[dreg:$0x2] =	wrdreg s2  }
0xb3: {  	[dreg:$0x3] =	wrdreg s19  }
0xb4: {  	[dreg:$0x4] =	wrdreg s4  }
0xb5: {  	[dreg:$0x5] =	wrdreg s5  }
0xb6: {  	[dreg:$0x6] =	wrdreg s6  }
0xb7: {  	[dreg:$0x7] =	wrdreg $0x54000  }
0xb8: {  	[dreg:$0x8] =	wrdreg $0x9  }
0xb9: {  	_ =	task.clear_ibuf [dreg:s11], $0x9FFFF;
	_ =	strace $0x90000046  }
0xba: {  	s29 =	simm.s32 $0x9;
	_ =	strace $0x80000048  }
0xbb: {  	_ =	swait.ge [sflag:s29], $0x1  }
0xbc: {  	[sflag:s29] =	ssyncadd.s32 $0xFFFFFFFF  }
0xbd: {  	_ =	strace $0x90000048  }
0xbe: {  	_ =	sfence  }
0xbf: {  	s30 =	sld [smem:$0x0];
	_ =	sdelay $0x2  }
0xc0: {  	s31 =	sshll.u32 s1, $0xD;
	s1 =	sshrl.u32 s1, $0x2  }
0xc1: {  	s3 =	sand.u32 $0x4000, s31;
	s1 =	sadd.s32 s1, s30  }
0xc2: {  	s0 =	sor.u32 s3, s0;
	s1 =	sshll.u32 s1, $0x11  }
0xc3: {  	s0 =	sor.u32 s1, s0  }
0xc4: {  	s0 =	sadd.s32 $0x8F2B, s0  }
0xc5: {  	[sflag:s0] =	ssyncadd.remote.s32 $0x1  }
0xc6: {  	_ =	sfence.sel $0xFFFF  }
0xc7: {  	[dreg:$0x0] =	wrdreg $0xFFFFFFFF;
	(pc) =	sbr.abs _section_cstart, $3  }
0xc8: {  	[dreg:$0x1] =	wrdreg $0xFFFFFFFF  }
0xc9: {  	_ =	task.clear_ibuf [dreg:s11], $0x2FFFF;
	_ =	strace $0x9FFFFFFF  }
0xca: {  	(tm) =	ssettm $0x7FFFFFFF  }
0xcb: {  	_ =	shalt  }
tec
execute0_lowered:
.L_overlay_start_1:
0x0: {  	(tag) =	ssettag $0x1  }
0x1: {  	s0 =	rddreg [dreg:$0x0]  }
0x2: {  	s1 =	rddreg [dreg:$0x1]  }
0x3: {  	s2 =	rddreg [dreg:$0x2]  }
0x4: {  	s3 =	srdreg.scid;
	s15 =	stileid.u32  }
0x5: {  	s7 =	rddreg [dreg:$0x4];
	s22 =	smul.u32 $0x4F000, s15  }
0x6: {  	s4 =	rddreg [dreg:$0x5];
	s6 =	sand.u32 $0x1, s3;
	s17 =	smul.u32 $0x13C00, s15  }
0x7: {  	s5 =	simm.s32 $0x0;
	s3 =	sshll.u32 s6, $0x4;
	s12 =	smul.u32 $0x27600, s6  }
0x8: {  	s8 =	ssub.s32 $0x2, s6;
	s6 =	smul.u32 $0x13C000, s6;
	s3 =	sor.u32 s15, s3  }
0x9: {  	[smem:$0x7FF] =	sst s5;
	s3 =	smul.u32 $0x2760, s3  }
0xa: {  	s25 =	smul.u32 $0x2760, s15;
	_ =	strace $0x80000047;
	s6 =	sadd.s32 s17, s6  }
0xb: {  	s9 =	sshrl.u32 s8, $0x1;
	s6 =	sshrl.u32 s6, $0x3;
	s10 =	sshrl.u32 s3, $0x3  }
0xc: {  	s3 =	ssub.s32 s8, s9;
	s9 =	sshrl.u32 s22, $0x2;
	s6 =	sadd.s32 s7, s6  }
0xd: {  	s7 =	simm.s32 $0x300;
	s21 =	sadd.s32 $0xA, s10;
	s23 =	sadd.s32 $0x14, s10  }
0xe: {  	s26 =	sadd.s32 $0x1E, s10;
	[dreg:$0x18] =	wrdreg s6;
	s11 =	sadd.s32 s1, s21  }
0xf: {  	s29 =	sadd.s32 $0x28, s10;
	s8 =	sadd.s32 s2, s21;
	[dreg:$0xe] =	wrdreg s11  }
0x10: {  	s20 =	sadd.s32 $0x32, s10;
	s24 =	sadd.s32 s1, s23;
	[dreg:$0xf] =	wrdreg s8  }
0x11: {  	s31 =	smax.u32 s3, $0x1;
	s13 =	sadd.s32 s1, s26;
	[dreg:$0x10] =	wrdreg s24  }
0x12: {  	s3 =	simm.s32 $0x200;
	s16 =	sadd.s32 s2, s29;
	[dreg:$0x12] =	wrdreg s13  }
0x13: {  	s11 =	sadd.s32 s2, s23;
	s8 =	sadd.s32 s25, s12;
	[dreg:$0x15] =	wrdreg s16  }
0x14: {  	s12 =	sadd.s32 s1, s29;
	s23 =	sadd.s32 s1, s20;
	[dreg:$0x11] =	wrdreg s11  }
0x15: {  	s25 =	sadd.s32 s2, s20;
	s29 =	sadd.s32 $0x3C, s10;
	[dreg:$0x14] =	wrdreg s12  }
0x16: {  	s16 =	sadd.s32 $0x4CE, s10;
	s11 =	sadd.s32 s2, s26;
	[dreg:$0x16] =	wrdreg s23  }
0x17: {  	s14 =	sadd.s32 $0x320, s8;
	s22 =	sadd.s32 $0x280, s8;
	[dreg:$0x17] =	wrdreg s25  }
0x18: {  	s17 =	sadd.s32 s2, s29;
	s6 =	sadd.s32 s2, s16;
	[dreg:$0x13] =	wrdreg s11  }
0x19: {  	s23 =	sadd.s32 s2, s10;
	s12 =	simm.s32 $0x1;
	[dreg:$0x1a] =	wrdreg s17  }
0x1a: {  	s11 =	sshrl.u32 s14, $0x3;
	s14 =	sadd.s32 $0x2D0, s8;
	[dreg:$0x1c] =	wrdreg s6  }
0x1b: {  	s8 =	sadd.s32 $0x230, s8;
	[smem:$0x7FA] =	sst s23;
	s6 =	simm.s32 $0x100  }
0x1c: {  	s17 =	simm.s32 $0x2;
	s18 =	sadd.s32 s11, s2;
	s11 =	sadd.s32 s11, s1  }
0x1d: {  	s19 =	sshrl.u32 s14, $0x3;
	s8 =	sshrl.u32 s8, $0x3;
	[dreg:$0x7] =	wrdreg s18  }
0x1e: {  	s14 =	sadd.s32 s1, s29;
	s29 =	sadd.s32 s9, s4;
	[dreg:$0x8] =	wrdreg s11  }
0x1f: {  	s9 =	simm.s32 $0x5;
	s21 =	sadd.s32 s19, s2;
	[dreg:$0x19] =	wrdreg s14  }
0x20: {  	s24 =	sadd.s32 s19, s1;
	s11 =	sshrl.u32 s22, $0x3;
	[smem:$0x7FD] =	sst s29  }
0x21: {  	s13 =	sadd.s32 s8, s2;
	s18 =	sadd.s32 s1, s16;
	[dreg:$0x9] =	wrdreg s21  }
0x22: {  	s19 =	sadd.s32 $0x4D8, s10;
	s22 =	sadd.s32 s1, s10;
	[dreg:$0xa] =	wrdreg s24  }
0x23: {  	s28 =	sadd.s32 s8, s1;
	s8 =	simm.s32 $0x9;
	[dreg:$0xd] =	wrdreg s13  }
0x24: {  	s14 =	simm.s32 $0x380;
	s16 =	simm.s32 $0x2C00;
	[dreg:$0x1b] =	wrdreg s18  }
0x25: {  	s26 =	sadd.s32 s11, s2;
	s11 =	sadd.s32 s11, s1;
	[dreg:$0x1f] =	wrdreg s22  }
0x26: {  	s20 =	sadd.s32 s1, s19;
	s21 =	sadd.s32 s2, s19;
	[dreg:$0xb] =	wrdreg s26  }
0x27: {  	s24 =	sadd.s32 $0x4E2, s10;
	s10 =	simm.s32 $0x50;
	[dreg:$0xc] =	wrdreg s11  }
0x28: {  	s13 =	simm.s32 $0x180;
	s18 =	simm.s32 $0x3;
	[dreg:$0x1d] =	wrdreg s20  }
0x29: {  	s19 =	simm.s32 $0x7;
	s22 =	simm.s32 $0x0;
	[dreg:$0x1e] =	wrdreg s21  }
0x2a: {  	s2 =	sadd.s32 s2, s24;
	s25 =	sadd.s32 s1, s24;
	s26 =	sshll.u32 s15, $0x6  }
0x2b: {  	s1 =	simm.s32 $0x80;
	s11 =	simm.s32 $0x400;
	s15 =	simm.s32 $0x6  }
0x2c: {  	s20 =	simm.s32 $0x4;
	s21 =	simm.s32 $0x8;
	[smem:$0x7FB] =	sst s2  }
0x2d: {  	[smem:$0x7FC] =	sst s25;
	s30 =	sor.u32 $0x1C09, s26;
	s2 =	simm.s32 $0x280  }
.LBB2_1:
0x2e: {  	s23 =	rddreg [dreg:$0x1f]  }
0x2f: {  	s29 =	sld [smem:$0x7FA]  }
0x30: {  	s24 =	rddreg [dreg:$0xe]  }
0x31: {  	[tilespmem:s5], [sflag:$0x5] =	stream.linear.gather [hbm4b:s23+s5], $0x50, $0x38;
	[tilespmem:$0x19000] =	vst v63  }
0x32: {  	s25 =	rddreg [dreg:$0xf]  }
0x33: {  	[tilespmem:s3], [sflag:$0x5] =	stream.linear.gather [hbm4b:s29+s5], $0x50, $0x38;
	[tilespmem:$0x19000] =	vst v63  }
0x34: {  	s26 =	rddreg [dreg:$0x10]  }
0x35: {  	[tilespmem:s1], [sflag:$0x6] =	stream.linear.gather [hbm4b:s24+s5], $0x50, $0x38;
	[tilespmem:$0x19000] =	vst v63  }
0x36: {  	s24 =	sld [smem:$0x7FD]  }
0x37: {  	[tilespmem:s2], [sflag:$0x6] =	stream.linear.gather [hbm4b:s25+s5], $0x50, $0x38;
	[tilespmem:$0x19000] =	vst v63  }
0x38: {  	s29 =	rddreg [dreg:$0x11]  }
0x39: {  	[tilespmem:s6], [sflag:$0x7] =	stream.linear.gather [hbm4b:s26+s5], $0x50, $0x38;
	[tilespmem:$0x19000] =	vst v63  }
0x3a: {  	s23 =	sshrl.u32 s24, $0x3;
	s24 =	rddreg [dreg:$0x3]  }
0x3b: {  	[tilespmem:s7], [sflag:$0x7] =	stream.linear.gather [hbm4b:s29+s5], $0x50, $0x38;
	[tilespmem:$0x19000] =	vst v63  }
0x3c: {  	[spmem:s23], [sflag:s30] =	dma.local [hbm:s24], $0x2780  }
0x3d: {  	_ =	swait.ge [sflag:s8], $0x2780  }
0x3e: {  	[sflag:s8] =	ssyncset.done $0x0  }
0x3f: {  	[sflag:s8] =	ssyncadd.s32 $0xFFFFD880  }
0x40: {  	_ =	swait.ge [sflag:s9], $0x50  }
0x41: {  	[sflag:s9] =	ssyncset.done $0x0  }
0x42: {  	[sflag:s9] =	ssyncadd.s32 $0xFFFFFFB0  }
0x43: {  	_ =	swait.ge [sflag:s9], $0x50  }
0x44: {  	[sflag:s9] =	ssyncset.done $0x0  }
0x45: {  	[sflag:s9] =	ssyncadd.s32 $0xFFFFFFB0  }
0x46: {  	[bflag:$0x0] =	sbarrier.arrive $0xFFFF  }
0x47: {  	[tilespmem:s11], [sflag:$0x1] =	stream.indirect.gather [hbm4b:s0+s10], $0x80, s5, s10, $0xb8;
	[tilespmem:$0x19000] =	vst v63  }
0x48: {  	_ =	swait.ge [sflag:s12], $0x2800  }
0x49: {  	[sflag:s12] =	ssyncset.done $0x0  }
0x4a: {  	[sflag:s12] =	ssyncadd.s32 $0xFFFFD800  }
0x4b: {  	[spmem:s4] =	stream.indirect.scatter.add.f32 [tilespmem:s11], [sflag:$0x3], $0x80, s3, s10, $0xb8;
	[tilespmem:$0x19000] =	vst v63  }
0x4c: {  	s25 =	rddreg [dreg:$0x12]  }
0x4d: {  	[tilespmem:s13], [sflag:$0x8] =	stream.linear.gather [hbm4b:s25+s5], $0x50, $0x38;
	[tilespmem:$0x19000] =	vst v63  }
0x4e: {  	s26 =	rddreg [dreg:$0x13]  }
0x4f: {  	[tilespmem:s14], [sflag:$0x8] =	stream.linear.gather [hbm4b:s26+s5], $0x50, $0x38;
	[tilespmem:$0x19000] =	vst v63  }
0x50: {  	_ =	swait.ge [sflag:s15], $0x50  }
0x51: {  	[sflag:s15] =	ssyncset.done $0x0  }
0x52: {  	[sflag:s15] =	ssyncadd.s32 $0xFFFFFFB0  }
0x53: {  	_ =	swait.ge [sflag:s15], $0x50  }
0x54: {  	[sflag:s15] =	ssyncset.done $0x0  }
0x55: {  	[sflag:s15] =	ssyncadd.s32 $0xFFFFFFB0  }
0x56: {  	[tilespmem:s16], [sflag:$0x2] =	stream.indirect.gather [hbm4b:s0+s10], $0x80, s1, s10, $0xb8;
	[tilespmem:$0x19000] =	vst v63  }
0x57: {  	_ =	swait.ge [sflag:s17], $0x2800  }
0x58: {  	[sflag:s17] =	ssyncset.done $0x0  }
0x59: {  	[sflag:s17] =	ssyncadd.s32 $0xFFFFD800  }
0x5a: {  	[spmem:s4] =	stream.indirect.scatter.add.f32 [tilespmem:s16], [sflag:$0x4], $0x80, s2, s10, $0xb8;
	[tilespmem:$0x19000] =	vst v63  }
0x5b: {  	_ =	swait.ge [sflag:s18], $0x2800  }
0x5c: {  	[sflag:s18] =	ssyncset.done $0x0  }
0x5d: {  	s29 =	rddreg [dreg:$0x14];
	[sflag:s18] =	ssyncadd.s32 $0xFFFFD800  }
0x5e: {  	[tilespmem:s5], [sflag:$0x5] =	stream.linear.gather [hbm4b:s29+s5], $0x50, $0x38;
	[tilespmem:$0x19000] =	vst v63  }
0x5f: {  	s25 =	rddreg [dreg:$0x15]  }
0x60: {  	[tilespmem:s3], [sflag:$0x5] =	stream.linear.gather [hbm4b:s25+s5], $0x50, $0x38;
	[tilespmem:$0x19000] =	vst v63  }
0x61: {  	_ =	swait.ge [sflag:s19], $0x50  }
0x62: {  	[sflag:s19] =	ssyncset.done $0x0  }
0x63: {  	[sflag:s19] =	ssyncadd.s32 $0xFFFFFFB0  }
0x64: {  	_ =	swait.ge [sflag:s19], $0x50  }
0x65: {  	[sflag:s19] =	ssyncset.done $0x0  }
0x66: {  	[sflag:s19] =	ssyncadd.s32 $0xFFFFFFB0  }
0x67: {  	[tilespmem:s11], [sflag:$0x1] =	stream.indirect.gather [hbm4b:s0+s10], $0x80, s6, s10, $0xb8;
	[tilespmem:$0x19000] =	vst v63  }
0x68: {  	_ =	swait.ge [sflag:s12], $0x2800  }
0x69: {  	[sflag:s12] =	ssyncset.done $0x0  }
0x6a: {  	[sflag:s12] =	ssyncadd.s32 $0xFFFFD800  }
0x6b: {  	[spmem:s4] =	stream.indirect.scatter.add.f32 [tilespmem:s11], [sflag:$0x3], $0x80, s7, s10, $0xb8;
	[tilespmem:$0x19000] =	vst v63  }
0x6c: {  	_ =	swait.ge [sflag:s20], $0x2800  }
0x6d: {  	[sflag:s20] =	ssyncset.done $0x0  }
0x6e: {  	s26 =	rddreg [dreg:$0x16];
	[sflag:s20] =	ssyncadd.s32 $0xFFFFD800  }
0x6f: {  	[tilespmem:s1], [sflag:$0x6] =	stream.linear.gather [hbm4b:s26+s5], $0x50, $0x38;
	[tilespmem:$0x19000] =	vst v63  }
0x70: {  	s29 =	rddreg [dreg:$0x17]  }
0x71: {  	[tilespmem:s2], [sflag:$0x6] =	stream.linear.gather [hbm4b:s29+s5], $0x50, $0x38;
	[tilespmem:$0x19000] =	vst v63  }
0x72: {  	_ =	swait.ge [sflag:s21], $0x50  }
0x73: {  	[sflag:s21] =	ssyncset.done $0x0  }
0x74: {  	[sflag:s21] =	ssyncadd.s32 $0xFFFFFFB0  }
0x75: {  	_ =	swait.ge [sflag:s21], $0x50  }
0x76: {  	[sflag:s21] =	ssyncset.done $0x0  }
0x77: {  	[sflag:s21] =	ssyncadd.s32 $0xFFFFFFB0  }
0x78: {  	[tilespmem:s16], [sflag:$0x2] =	stream.indirect.gather [hbm4b:s0+s10], $0x80, s13, s10, $0xb8;
	[tilespmem:$0x19000] =	vst v63  }
0x79: {  	_ =	swait.ge [sflag:s17], $0x2800  }
0x7a: {  	[sflag:s17] =	ssyncset.done $0x0  }
0x7b: {  	[sflag:s17] =	ssyncadd.s32 $0xFFFFD800  }
0x7c: {  	[spmem:s4] =	stream.indirect.scatter.add.f32 [tilespmem:s16], [sflag:$0x4], $0x80, s14, s10, $0xb8;
	[tilespmem:$0x19000] =	vst v63  }
0x7d: {  	_ =	swait.ge [sflag:s18], $0x2800  }
0x7e: {  	[sflag:s18] =	ssyncset.done $0x0  }
0x7f: {  	s25 =	rddreg [dreg:$0x19];
	[sflag:s18] =	ssyncadd.s32 $0xFFFFD800  }
0x80: {  	[tilespmem:s6], [sflag:$0x7] =	stream.linear.gather [hbm4b:s25+s5], $0x50, $0x38;
	[tilespmem:$0x19000] =	vst v63  }
0x81: {  	s26 =	rddreg [dreg:$0x1a]  }
0x82: {  	[tilespmem:s7], [sflag:$0x7] =	stream.linear.gather [hbm4b:s26+s5], $0x50, $0x38;
	[tilespmem:$0x19000] =	vst v63  }
0x83: {  	_ =	swait.ge [sflag:s9], $0x50  }
0x84: {  	[sflag:s9] =	ssyncset.done $0x0  }
0x85: {  	[sflag:s9] =	ssyncadd.s32 $0xFFFFFFB0  }
0x86: {  	_ =	swait.ge [sflag:s9], $0x50  }
0x87: {  	[sflag:s9] =	ssyncset.done $0x0  }
0x88: {  	[sflag:s9] =	ssyncadd.s32 $0xFFFFFFB0  }
0x89: {  	[tilespmem:s11], [sflag:$0x1] =	stream.indirect.gather [hbm4b:s0+s10], $0x80, s5, s10, $0xb8;
	[tilespmem:$0x19000] =	vst v63  }
0x8a: {  	_ =	swait.ge [sflag:s12], $0x2800  }
0x8b: {  	[sflag:s12] =	ssyncset.done $0x0  }
0x8c: {  	[sflag:s12] =	ssyncadd.s32 $0xFFFFD800  }
0x8d: {  	[spmem:s4] =	stream.indirect.scatter.add.f32 [tilespmem:s11], [sflag:$0x3], $0x80, s3, s10, $0xb8;
	[tilespmem:$0x19000] =	vst v63  }
0x8e: {  	_ =	swait.ge [sflag:s20], $0x2800  }
0x8f: {  	[sflag:s20] =	ssyncset.done $0x0  }
0x90: {  	s25 =	sadd.s32 $0x0, s28;
	s29 =	rddreg [dreg:$0xd];
	[sflag:s20] =	ssyncadd.s32 $0xFFFFD800  }
0x91: {  	[tilespmem:s13], [sflag:$0x8] =	stream.linear.gather [hbm4b:s25+s5], $0x50, $0x38;
	[tilespmem:$0x19000] =	vst v63  }
0x92: {  	s24 =	sadd.s32 $0x0, s29  }
0x93: {  	[tilespmem:s14], [sflag:$0x8] =	stream.linear.gather [hbm4b:s24+s5], $0x50, $0x38;
	[tilespmem:$0x19000] =	vst v63  }
0x94: {  	_ =	swait.ge [sflag:s15], $0x50  }
0x95: {  	[sflag:s15] =	ssyncset.done $0x0  }
0x96: {  	[sflag:s15] =	ssyncadd.s32 $0xFFFFFFB0  }
0x97: {  	_ =	swait.ge [sflag:s15], $0x50  }
0x98: {  	[sflag:s15] =	ssyncset.done $0x0  }
0x99: {  	[sflag:s15] =	ssyncadd.s32 $0xFFFFFFB0  }
0x9a: {  	[tilespmem:s16], [sflag:$0x2] =	stream.indirect.gather [hbm4b:s0+s10], $0x80, s1, s10, $0xb8;
	[tilespmem:$0x19000] =	vst v63  }
0x9b: {  	_ =	swait.ge [sflag:s17], $0x2800  }
0x9c: {  	[sflag:s17] =	ssyncset.done $0x0  }
0x9d: {  	[sflag:s17] =	ssyncadd.s32 $0xFFFFD800  }
0x9e: {  	[spmem:s4] =	stream.indirect.scatter.add.f32 [tilespmem:s16], [sflag:$0x4], $0x80, s2, s10, $0xb8;
	[tilespmem:$0x19000] =	vst v63  }
0x9f: {  	_ =	swait.ge [sflag:s18], $0x2800  }
0xa0: {  	s25 =	rddreg [dreg:$0xc];
	[sflag:s18] =	ssyncset.done $0x0  }
0xa1: {  	s26 =	rddreg [dreg:$0xb];
	[sflag:s18] =	ssyncadd.s32 $0xFFFFD800;
	s24 =	sadd.s32 $0x0, s25  }
0xa2: {  	[tilespmem:s5], [sflag:$0x5] =	stream.linear.gather [hbm4b:s24+s5], $0x50, $0x38;
	[tilespmem:$0x19000] =	vst v63  }
0xa3: {  	s29 =	sadd.s32 $0x0, s26  }
0xa4: {  	[tilespmem:s3], [sflag:$0x5] =	stream.linear.gather [hbm4b:s29+s5], $0x50, $0x38;
	[tilespmem:$0x19000] =	vst v63  }
0xa5: {  	_ =	swait.ge [sflag:s19], $0x50  }
0xa6: {  	[sflag:s19] =	ssyncset.done $0x0  }
0xa7: {  	[sflag:s19] =	ssyncadd.s32 $0xFFFFFFB0  }
0xa8: {  	_ =	swait.ge [sflag:s19], $0x50  }
0xa9: {  	[sflag:s19] =	ssyncset.done $0x0  }
0xaa: {  	[sflag:s19] =	ssyncadd.s32 $0xFFFFFFB0  }
0xab: {  	[tilespmem:s11], [sflag:$0x1] =	stream.indirect.gather [hbm4b:s0+s10], $0x80, s6, s10, $0xb8;
	[tilespmem:$0x19000] =	vst v63  }
0xac: {  	_ =	swait.ge [sflag:s12], $0x2800  }
0xad: {  	[sflag:s12] =	ssyncset.done $0x0  }
0xae: {  	[sflag:s12] =	ssyncadd.s32 $0xFFFFD800  }
0xaf: {  	[spmem:s4] =	stream.indirect.scatter.add.f32 [tilespmem:s11], [sflag:$0x3], $0x80, s7, s10, $0xb8;
	[tilespmem:$0x19000] =	vst v63  }
0xb0: {  	_ =	swait.ge [sflag:s20], $0x2800  }
0xb1: {  	s25 =	rddreg [dreg:$0xa];
	[sflag:s20] =	ssyncset.done $0x0  }
0xb2: {  	s26 =	rddreg [dreg:$0x9];
	[sflag:s20] =	ssyncadd.s32 $0xFFFFD800;
	s24 =	sadd.s32 $0x0, s25  }
0xb3: {  	[tilespmem:s1], [sflag:$0x6] =	stream.linear.gather [hbm4b:s24+s5], $0x50, $0x38;
	[tilespmem:$0x19000] =	vst v63  }
0xb4: {  	s29 =	sadd.s32 $0x0, s26  }
0xb5: {  	[tilespmem:s2], [sflag:$0x6] =	stream.linear.gather [hbm4b:s29+s5], $0x50, $0x38;
	[tilespmem:$0x19000] =	vst v63  }
0xb6: {  	_ =	swait.ge [sflag:s21], $0x50  }
0xb7: {  	[sflag:s21] =	ssyncset.done $0x0  }
0xb8: {  	[sflag:s21] =	ssyncadd.s32 $0xFFFFFFB0  }
0xb9: {  	_ =	swait.ge [sflag:s21], $0x50  }
0xba: {  	[sflag:s21] =	ssyncset.done $0x0  }
0xbb: {  	[sflag:s21] =	ssyncadd.s32 $0xFFFFFFB0  }
0xbc: {  	[tilespmem:s16], [sflag:$0x2] =	stream.indirect.gather [hbm4b:s0+s10], $0x80, s13, s10, $0xb8;
	[tilespmem:$0x19000] =	vst v63  }
0xbd: {  	_ =	swait.ge [sflag:s17], $0x2800  }
0xbe: {  	[sflag:s17] =	ssyncset.done $0x0  }
0xbf: {  	[sflag:s17] =	ssyncadd.s32 $0xFFFFD800  }
0xc0: {  	[spmem:s4] =	stream.indirect.scatter.add.f32 [tilespmem:s16], [sflag:$0x4], $0x80, s14, s10, $0xb8;
	[tilespmem:$0x19000] =	vst v63  }
0xc1: {  	_ =	swait.ge [sflag:s18], $0x2800  }
0xc2: {  	s25 =	rddreg [dreg:$0x8];
	[sflag:s18] =	ssyncset.done $0x0  }
0xc3: {  	s26 =	rddreg [dreg:$0x7];
	[sflag:s18] =	ssyncadd.s32 $0xFFFFD800;
	s24 =	sadd.s32 $0x0, s25  }
0xc4: {  	[tilespmem:s6], [sflag:$0x7] =	stream.linear.gather [hbm4b:s24+s5], $0x50, $0x38;
	[tilespmem:$0x19000] =	vst v63  }
0xc5: {  	s29 =	sadd.s32 $0x0, s26  }
0xc6: {  	[tilespmem:s7], [sflag:$0x7] =	stream.linear.gather [hbm4b:s29+s5], $0x50, $0x38;
	[tilespmem:$0x19000] =	vst v63  }
0xc7: {  	_ =	swait.ge [sflag:s9], $0x50  }
0xc8: {  	[sflag:s9] =	ssyncset.done $0x0  }
0xc9: {  	[sflag:s9] =	ssyncadd.s32 $0xFFFFFFB0  }
0xca: {  	_ =	swait.ge [sflag:s9], $0x50  }
0xcb: {  	[sflag:s9] =	ssyncset.done $0x0  }
0xcc: {  	s24 =	simm.s32 $0x28;
	[sflag:s9] =	ssyncadd.s32 $0xFFFFFFB0  }
.LBB2_2:
0xcd: {  	[tilespmem:s11], [sflag:$0x1] =	stream.indirect.gather [hbm4b:s0+s10], $0x80, s5, s10, $0xb8;
	[tilespmem:$0x19000] =	vst v63  }
0xce: {  	_ =	swait.ge [sflag:s12], $0x2800  }
0xcf: {  	[sflag:s12] =	ssyncset.done $0x0  }
0xd0: {  	[sflag:s12] =	ssyncadd.s32 $0xFFFFD800  }
0xd1: {  	[spmem:s4] =	stream.indirect.scatter.add.f32 [tilespmem:s11], [sflag:$0x3], $0x80, s3, s10, $0xb8;
	[tilespmem:$0x19000] =	vst v63  }
0xd2: {  	_ =	swait.ge [sflag:s20], $0x2800  }
0xd3: {  	s25 =	smov.u32 s24;
	[sflag:s20] =	ssyncset.done $0x0  }
0xd4: {  	s29 =	sadd.s32 s25, s28;
	s26 =	rddreg [dreg:$0xd];
	[sflag:s20] =	ssyncadd.s32 $0xFFFFD800  }
0xd5: {  	[tilespmem:s13], [sflag:$0x8] =	stream.linear.gather [hbm4b:s29+s5], $0x50, $0x38;
	[tilespmem:$0x19000] =	vst v63  }
0xd6: {  	s26 =	sadd.s32 s25, s26  }
0xd7: {  	[tilespmem:s14], [sflag:$0x8] =	stream.linear.gather [hbm4b:s26+s5], $0x50, $0x38;
	[tilespmem:$0x19000] =	vst v63  }
0xd8: {  	_ =	swait.ge [sflag:s15], $0x50  }
0xd9: {  	[sflag:s15] =	ssyncset.done $0x0  }
0xda: {  	[sflag:s15] =	ssyncadd.s32 $0xFFFFFFB0  }
0xdb: {  	_ =	swait.ge [sflag:s15], $0x50  }
0xdc: {  	[sflag:s15] =	ssyncset.done $0x0  }
0xdd: {  	[sflag:s15] =	ssyncadd.s32 $0xFFFFFFB0  }
0xde: {  	[tilespmem:s16], [sflag:$0x2] =	stream.indirect.gather [hbm4b:s0+s10], $0x80, s1, s10, $0xb8;
	[tilespmem:$0x19000] =	vst v63  }
0xdf: {  	_ =	swait.ge [sflag:s17], $0x2800  }
0xe0: {  	[sflag:s17] =	ssyncset.done $0x0  }
0xe1: {  	[sflag:s17] =	ssyncadd.s32 $0xFFFFD800  }
0xe2: {  	[spmem:s4] =	stream.indirect.scatter.add.f32 [tilespmem:s16], [sflag:$0x4], $0x80, s2, s10, $0xb8;
	[tilespmem:$0x19000] =	vst v63  }
0xe3: {  	_ =	swait.ge [sflag:s18], $0x2800  }
0xe4: {  	s26 =	rddreg [dreg:$0xc];
	[sflag:s18] =	ssyncset.done $0x0  }
0xe5: {  	s29 =	rddreg [dreg:$0xb];
	[sflag:s18] =	ssyncadd.s32 $0xFFFFD800;
	s26 =	sadd.s32 s25, s26  }
0xe6: {  	[tilespmem:s5], [sflag:$0x5] =	stream.linear.gather [hbm4b:s26+s5], $0x50, $0x38;
	[tilespmem:$0x19000] =	vst v63  }
0xe7: {  	s29 =	sadd.s32 s25, s29  }
0xe8: {  	[tilespmem:s3], [sflag:$0x5] =	stream.linear.gather [hbm4b:s29+s5], $0x50, $0x38;
	[tilespmem:$0x19000] =	vst v63  }
0xe9: {  	_ =	swait.ge [sflag:s19], $0x50  }
0xea: {  	[sflag:s19] =	ssyncset.done $0x0  }
0xeb: {  	[sflag:s19] =	ssyncadd.s32 $0xFFFFFFB0  }
0xec: {  	_ =	swait.ge [sflag:s19], $0x50  }
0xed: {  	[sflag:s19] =	ssyncset.done $0x0  }
0xee: {  	[sflag:s19] =	ssyncadd.s32 $0xFFFFFFB0  }
0xef: {  	[tilespmem:s11], [sflag:$0x1] =	stream.indirect.gather [hbm4b:s0+s10], $0x80, s6, s10, $0xb8;
	[tilespmem:$0x19000] =	vst v63  }
0xf0: {  	_ =	swait.ge [sflag:s12], $0x2800  }
0xf1: {  	[sflag:s12] =	ssyncset.done $0x0  }
0xf2: {  	[sflag:s12] =	ssyncadd.s32 $0xFFFFD800  }
0xf3: {  	[spmem:s4] =	stream.indirect.scatter.add.f32 [tilespmem:s11], [sflag:$0x3], $0x80, s7, s10, $0xb8;
	[tilespmem:$0x19000] =	vst v63  }
0xf4: {  	_ =	swait.ge [sflag:s20], $0x2800  }
0xf5: {  	s26 =	rddreg [dreg:$0xa];
	[sflag:s20] =	ssyncset.done $0x0  }
0xf6: {  	s29 =	rddreg [dreg:$0x9];
	[sflag:s20] =	ssyncadd.s32 $0xFFFFD800;
	s26 =	sadd.s32 s25, s26  }
0xf7: {  	[tilespmem:s1], [sflag:$0x6] =	stream.linear.gather [hbm4b:s26+s5], $0x50, $0x38;
	[tilespmem:$0x19000] =	vst v63  }
0xf8: {  	s29 =	sadd.s32 s25, s29  }
0xf9: {  	[tilespmem:s2], [sflag:$0x6] =	stream.linear.gather [hbm4b:s29+s5], $0x50, $0x38;
	[tilespmem:$0x19000] =	vst v63  }
0xfa: {  	_ =	swait.ge [sflag:s21], $0x50  }
0xfb: {  	[sflag:s21] =	ssyncset.done $0x0  }
0xfc: {  	[sflag:s21] =	ssyncadd.s32 $0xFFFFFFB0  }
0xfd: {  	_ =	swait.ge [sflag:s21], $0x50  }
0xfe: {  	[sflag:s21] =	ssyncset.done $0x0  }
0xff: {  	[sflag:s21] =	ssyncadd.s32 $0xFFFFFFB0  }
0x100: {  	[tilespmem:s16], [sflag:$0x2] =	stream.indirect.gather [hbm4b:s0+s10], $0x80, s13, s10, $0xb8;
	[tilespmem:$0x19000] =	vst v63  }
0x101: {  	_ =	swait.ge [sflag:s17], $0x2800  }
0x102: {  	[sflag:s17] =	ssyncset.done $0x0  }
0x103: {  	[sflag:s17] =	ssyncadd.s32 $0xFFFFD800  }
0x104: {  	[spmem:s4] =	stream.indirect.scatter.add.f32 [tilespmem:s16], [sflag:$0x4], $0x80, s14, s10, $0xb8;
	[tilespmem:$0x19000] =	vst v63  }
0x105: {  	_ =	swait.ge [sflag:s18], $0x2800  }
0x106: {  	s26 =	rddreg [dreg:$0x8];
	[sflag:s18] =	ssyncset.done $0x0  }
0x107: {  	s29 =	rddreg [dreg:$0x7];
	[sflag:s18] =	ssyncadd.s32 $0xFFFFD800;
	s26 =	sadd.s32 s25, s26  }
0x108: {  	[tilespmem:s6], [sflag:$0x7] =	stream.linear.gather [hbm4b:s26+s5], $0x50, $0x38;
	[tilespmem:$0x19000] =	vst v63  }
0x109: {  	s25 =	sadd.s32 s25, s29  }
0x10a: {  	[tilespmem:s7], [sflag:$0x7] =	stream.linear.gather [hbm4b:s25+s5], $0x50, $0x38;
	[tilespmem:$0x19000] =	vst v63  }
0x10b: {  	p0 =	sne.s32 s24, $0x460;
	_ =	swait.ge [sflag:s9], $0x50  }
.Ltmp0:
0x10c: {  	[sflag:s9] =	ssyncset.done $0x0;
	(pc) =	sbr.rel @p0 .LBB2_2-.Ltmp0, $4  }
0x10d: {  	[sflag:s9] =	ssyncadd.s32 $0xFFFFFFB0  }
0x10e: {  	_ =	swait.ge [sflag:s9], $0x50  }
0x10f: {  	[sflag:s9] =	ssyncset.done $0x0  }
0x110: {  	s24 =	sadd.s32 $0x28, s24;
	[sflag:s9] =	ssyncadd.s32 $0xFFFFFFB0  }
0x111: {  	[tilespmem:s11], [sflag:$0x1] =	stream.indirect.gather [hbm4b:s0+s10], $0x80, s5, s10, $0xb8;
	[tilespmem:$0x19000] =	vst v63  }
0x112: {  	_ =	swait.ge [sflag:s12], $0x2800  }
0x113: {  	[sflag:s12] =	ssyncset.done $0x0  }
0x114: {  	[sflag:s12] =	ssyncadd.s32 $0xFFFFD800  }
0x115: {  	[spmem:s4] =	stream.indirect.scatter.add.f32 [tilespmem:s11], [sflag:$0x3], $0x80, s3, s10, $0xb8;
	[tilespmem:$0x19000] =	vst v63  }
0x116: {  	_ =	swait.ge [sflag:s20], $0x2800  }
0x117: {  	[sflag:s20] =	ssyncset.done $0x0  }
0x118: {  	s24 =	rddreg [dreg:$0x1b];
	[sflag:s20] =	ssyncadd.s32 $0xFFFFD800  }
0x119: {  	[tilespmem:s13], [sflag:$0x8] =	stream.linear.gather [hbm4b:s24+s5], $0x50, $0x38;
	[tilespmem:$0x19000] =	vst v63  }
0x11a: {  	s25 =	rddreg [dreg:$0x1c]  }
0x11b: {  	[tilespmem:s14], [sflag:$0x8] =	stream.linear.gather [hbm4b:s25+s5], $0x50, $0x38;
	[tilespmem:$0x19000] =	vst v63  }
0x11c: {  	_ =	swait.ge [sflag:s15], $0x50  }
0x11d: {  	[sflag:s15] =	ssyncset.done $0x0  }
0x11e: {  	[sflag:s15] =	ssyncadd.s32 $0xFFFFFFB0  }
0x11f: {  	_ =	swait.ge [sflag:s15], $0x50  }
0x120: {  	[sflag:s15] =	ssyncset.done $0x0  }
0x121: {  	[sflag:s15] =	ssyncadd.s32 $0xFFFFFFB0  }
0x122: {  	[tilespmem:s16], [sflag:$0x2] =	stream.indirect.gather [hbm4b:s0+s10], $0x80, s1, s10, $0xb8;
	[tilespmem:$0x19000] =	vst v63  }
0x123: {  	_ =	swait.ge [sflag:s17], $0x2800  }
0x124: {  	[sflag:s17] =	ssyncset.done $0x0  }
0x125: {  	[sflag:s17] =	ssyncadd.s32 $0xFFFFD800  }
0x126: {  	[spmem:s4] =	stream.indirect.scatter.add.f32 [tilespmem:s16], [sflag:$0x4], $0x80, s2, s10, $0xb8;
	[tilespmem:$0x19000] =	vst v63  }
0x127: {  	_ =	swait.ge [sflag:s18], $0x2800  }
0x128: {  	[sflag:s18] =	ssyncset.done $0x0  }
0x129: {  	s26 =	rddreg [dreg:$0x1d];
	[sflag:s18] =	ssyncadd.s32 $0xFFFFD800  }
0x12a: {  	[tilespmem:s5], [sflag:$0x5] =	stream.linear.gather [hbm4b:s26+s5], $0x50, $0x38;
	[tilespmem:$0x19000] =	vst v63  }
0x12b: {  	s29 =	rddreg [dreg:$0x1e]  }
0x12c: {  	[tilespmem:s3], [sflag:$0x5] =	stream.linear.gather [hbm4b:s29+s5], $0x50, $0x38;
	[tilespmem:$0x19000] =	vst v63  }
0x12d: {  	_ =	swait.ge [sflag:s19], $0x50  }
0x12e: {  	[sflag:s19] =	ssyncset.done $0x0  }
0x12f: {  	[sflag:s19] =	ssyncadd.s32 $0xFFFFFFB0  }
0x130: {  	_ =	swait.ge [sflag:s19], $0x50  }
0x131: {  	[sflag:s19] =	ssyncset.done $0x0  }
0x132: {  	[sflag:s19] =	ssyncadd.s32 $0xFFFFFFB0  }
0x133: {  	[tilespmem:s11], [sflag:$0x1] =	stream.indirect.gather [hbm4b:s0+s10], $0x80, s6, s10, $0xb8;
	[tilespmem:$0x19000] =	vst v63  }
0x134: {  	_ =	swait.ge [sflag:s12], $0x2800  }
0x135: {  	[sflag:s12] =	ssyncset.done $0x0  }
0x136: {  	[sflag:s12] =	ssyncadd.s32 $0xFFFFD800  }
0x137: {  	[spmem:s4] =	stream.indirect.scatter.add.f32 [tilespmem:s11], [sflag:$0x3], $0x80, s7, s10, $0xb8;
	[tilespmem:$0x19000] =	vst v63  }
0x138: {  	_ =	swait.ge [sflag:s20], $0x2800  }
0x139: {  	s25 =	sld [smem:$0x7FC]  }
0x13a: {  	[sflag:s20] =	ssyncset.done $0x0  }
0x13b: {  	s26 =	sld [smem:$0x7FB];
	[sflag:s20] =	ssyncadd.s32 $0xFFFFD800  }
0x13c: {  	[tilespmem:s1], [sflag:$0x6] =	stream.linear.gather [hbm4b:s25+s5], $0x50, $0x38;
	[tilespmem:$0x19000] =	vst v63  }
0x13d: {  	_ = 	snop  }
0x13e: {  	[tilespmem:s2], [sflag:$0x6] =	stream.linear.gather [hbm4b:s26+s5], $0x50, $0x38;
	[tilespmem:$0x19000] =	vst v63  }
0x13f: {  	_ =	swait.ge [sflag:s21], $0x50  }
0x140: {  	[sflag:s21] =	ssyncset.done $0x0  }
0x141: {  	[sflag:s21] =	ssyncadd.s32 $0xFFFFFFB0  }
0x142: {  	_ =	swait.ge [sflag:s21], $0x50  }
0x143: {  	[sflag:s21] =	ssyncset.done $0x0  }
0x144: {  	[sflag:s21] =	ssyncadd.s32 $0xFFFFFFB0  }
0x145: {  	[tilespmem:s16], [sflag:$0x2] =	stream.indirect.gather [hbm4b:s0+s10], $0x80, s13, s10, $0xb8;
	[tilespmem:$0x19000] =	vst v63  }
0x146: {  	_ =	swait.ge [sflag:s17], $0x2800  }
0x147: {  	[sflag:s17] =	ssyncset.done $0x0  }
0x148: {  	[sflag:s17] =	ssyncadd.s32 $0xFFFFD800  }
0x149: {  	[spmem:s4] =	stream.indirect.scatter.add.f32 [tilespmem:s16], [sflag:$0x4], $0x80, s14, s10, $0xb8;
	[tilespmem:$0x19000] =	vst v63  }
0x14a: {  	_ =	swait.ge [sflag:s18], $0x2800  }
0x14b: {  	[sflag:s18] =	ssyncset.done $0x0  }
0x14c: {  	[sflag:s18] =	ssyncadd.s32 $0xFFFFD800  }
0x14d: {  	_ =	swait.ge [sflag:s9], $0x50  }
0x14e: {  	[sflag:s9] =	ssyncset.done $0x0  }
0x14f: {  	[sflag:s9] =	ssyncadd.s32 $0xFFFFFFB0  }
0x150: {  	_ =	swait.ge [sflag:s9], $0x50  }
0x151: {  	[sflag:s9] =	ssyncset.done $0x0  }
0x152: {  	[sflag:s9] =	ssyncadd.s32 $0xFFFFFFB0  }
0x153: {  	[tilespmem:s11], [sflag:$0x1] =	stream.indirect.gather [hbm4b:s0+s10], $0x80, s5, s10, $0xb8;
	[tilespmem:$0x19000] =	vst v63  }
0x154: {  	_ =	swait.ge [sflag:s12], $0x2800  }
0x155: {  	[sflag:s12] =	ssyncset.done $0x0  }
0x156: {  	[sflag:s12] =	ssyncadd.s32 $0xFFFFD800  }
0x157: {  	[spmem:s4] =	stream.indirect.scatter.add.f32 [tilespmem:s11], [sflag:$0x3], $0x80, s3, s10, $0xb8;
	[tilespmem:$0x19000] =	vst v63  }
0x158: {  	_ =	swait.ge [sflag:s20], $0x2800  }
0x159: {  	[sflag:s20] =	ssyncset.done $0x0  }
0x15a: {  	[sflag:s20] =	ssyncadd.s32 $0xFFFFD800  }
0x15b: {  	_ =	swait.ge [sflag:s15], $0x50  }
0x15c: {  	[sflag:s15] =	ssyncset.done $0x0  }
0x15d: {  	[sflag:s15] =	ssyncadd.s32 $0xFFFFFFB0  }
0x15e: {  	_ =	swait.ge [sflag:s15], $0x50  }
0x15f: {  	[sflag:s15] =	ssyncset.done $0x0  }
0x160: {  	[sflag:s15] =	ssyncadd.s32 $0xFFFFFFB0  }
0x161: {  	[tilespmem:s16], [sflag:$0x2] =	stream.indirect.gather [hbm4b:s0+s10], $0x80, s1, s10, $0xb8;
	[tilespmem:$0x19000] =	vst v63  }
0x162: {  	_ =	swait.ge [sflag:s17], $0x2800  }
0x163: {  	[sflag:s17] =	ssyncset.done $0x0  }
0x164: {  	[sflag:s17] =	ssyncadd.s32 $0xFFFFD800  }
0x165: {  	[spmem:s4] =	stream.indirect.scatter.add.f32 [tilespmem:s16], [sflag:$0x4], $0x80, s2, s10, $0xb8;
	[tilespmem:$0x19000] =	vst v63  }
0x166: {  	_ =	swait.ge [sflag:s18], $0x2800  }
0x167: {  	[sflag:s18] =	ssyncset.done $0x0  }
0x168: {  	[sflag:s18] =	ssyncadd.s32 $0xFFFFD800  }
0x169: {  	_ =	swait.ge [sflag:s20], $0x2800  }
0x16a: {  	[sflag:s20] =	ssyncset.done $0x0  }
0x16b: {  	s22 =	sadd.s32 $0x1, s22;
	[sflag:s20] =	ssyncadd.s32 $0xFFFFD800  }
0x16c: {  	p0 =	sne.s32 s22, s31;
	[bflag:$0x0] =	sbarrier.arrive $0xFFFF  }
.Ltmp1:
0x16d: {  	s29 =	rddreg [dreg:$0x18];
	(pc) =	sbr.rel @p0 .LBB2_1-.Ltmp1, $4  }
0x16e: {  	[hbm:s29], [sflag:s30] =	dma.local [spmem:s23], $0x2780  }
0x16f: {  	_ =	swait.ge [sflag:s8], $0x2780  }
0x170: {  	[sflag:s8] =	ssyncset.done $0x0  }
0x171: {  	[sflag:s8] =	ssyncadd.s32 $0xFFFFD880  }
0x172: {  	_ =	sfence.sel $0x180000  }
0x173: {  	[bflag:$0x0] =	sbarrier.arrive $0xFFFF  }
0x174: {  	_ =	strace $0x90000047  }
0x175: {  	s0 =	stileid.u32;
	[bflag:$0x2] =	sbarrier.arrive $0xFFFF  }
0x176: {  	p0 =	sne.s32 s0, $0x0;
	s0 =	rddreg [dreg:$0x6]  }
0x177: {  	s0 =	sadd.s32 @!p0 $0x100000, s0  }
0x178: {  	[sflag:s0] =	ssyncadd.tile.s32 @!p0 $0x1;
	_ =	shalt  }
.Lfunc_end2:
_tile_overlayer_lowered:
.L_overlay_start_2:
0x179: {  	(tag) =	ssettag $0x2  }
0x17a: {  	s0 =	rddreg [dreg:$0x0];
	s2 =	stileid.u32  }
0x17b: {  	s1 =	rddreg [dreg:$0x1];
	p0 =	sne.s32 s2, $0x0  }
0x17c: {  	s3 =	rddreg [dreg:$0x2];
	[bflag:$0x3] =	sbarrier.arrive $0xFFFF;
	s2 =	simm.s32 @!p0 $0x1C09  }
0x17d: {  	[timem:s3], [sflag:s2] =	dma.local @!p0 [hbm:s0], s1  }
0x17e: {  	s0 =	simm.s32 @!p0 $0x9  }
0x17f: {  	_ =	swait.ge @!p0 [sflag:s0], s1  }
0x180: {  	s1 =	ssub.s32 @!p0 $0x0, s1;
	[sflag:s0] =	ssyncset.done @!p0 $0x0  }
0x181: {  	[sflag:s0] =	ssyncadd.s32 @!p0 s1  }
0x182: {  	[bflag:$0x3] =	sbarrier.arrive $0xFFFF  }
0x183: {  	_ =	shalt  }

</sc_bundles>
